<compile_context>
chip_gen: v7x
topology: tpu7x:2x2x1
jax: 0.10.2.dev20260603
libtpu: 0.0.44.dev20260713+nightly
codegen_flags: <defaults>
</compile_context>

<pallas_src>
import functools

import jax
import jax.numpy as jnp
from jax import lax
from jax.experimental import pallas as pl
from jax.experimental.pallas import tpu as pltpu
from jax.experimental.pallas import tpu_sc as plsc

N_NODES = 10000
N_EDGES = 320000
D_FEAT = 128
HIDDEN = 128
N_CLASSES = 10
BATCH_SIZE = 1024

NC = 2
NS = 16
NW = NC * NS
CH = 128
NCHUNK = 80
NSTAGE = 2
NBUF = 2
EPT = CH * NCHUNK
E_PAD = EPT * NW
NPAD = 10240
ZRS = NPAD // NS

@functools.cache
def _sc_kernels():
    mesh = plsc.VectorSubcoreMesh(core_axis_name="c", subcore_axis_name="s")

    @functools.partial(
        pl.kernel,
        mesh=mesh,
        out_type=jax.ShapeDtypeStruct((NC, NPAD, D_FEAT), jnp.float32),
        scratch_types=[
            pltpu.VMEM((NCHUNK // NSTAGE, CH), jnp.int32),
            pltpu.VMEM((NCHUNK // NSTAGE, CH), jnp.int32),
        ] + [pltpu.VMEM((CH, D_FEAT), jnp.float32) for _ in range(NBUF)] + [
            pltpu.VMEM_SHARED((NPAD, D_FEAT), jnp.float32),
        ] + [pltpu.SemaphoreType.DMA for _ in range(2 * NBUF)],
    )
    def _edge_kernel(u_hbm, row_hbm, col_hbm, zeros_hbm, out_hbm,
                     rowbuf, colbuf, *rest):
        bufs = rest[:NBUF]
        aggsh = rest[NBUF]
        sems = rest[NBUF + 1:]
        cid = lax.axis_index("c")
        sid = lax.axis_index("s")
        wid = sid * NC + cid
        HC = NCHUNK // NSTAGE

        def gather2(i, b):
            for h in range(2):
                pltpu.async_copy(
                    u_hbm.at[rowbuf.at[i, pl.ds(h * 64, 64)]],
                    bufs[b].at[pl.ds(h * 64, 64)], sems[2 * b + h])

        def gather2_wait(i, b):
            for h in range(2):
                pltpu.make_async_copy(
                    u_hbm.at[rowbuf.at[i, pl.ds(h * 64, 64)]],
                    bufs[b].at[pl.ds(h * 64, 64)], sems[2 * b + h]).wait()
        with jax.named_scope("zinit"):
            pltpu.sync_copy(zeros_hbm, bufs[0])
            for k in range(ZRS // CH):
                pltpu.sync_copy(bufs[0],
                                aggsh.at[pl.ds(sid * ZRS + k * CH, CH)])
            plsc.subcore_barrier()

        for stage in range(NSTAGE):
          with jax.named_scope(f"mainloop{stage}"):
            pltpu.sync_copy(row_hbm.at[wid, pl.ds(stage * HC, HC)], rowbuf)
            pltpu.sync_copy(col_hbm.at[wid, pl.ds(stage * HC, HC)], colbuf)
            for b in range(NBUF):
                gather2(b, b)

            def body(q, carry):
                for b in range(NBUF):
                    i = q * NBUF + b
                    gather2_wait(i, b)
                    pltpu.sync_copy(bufs[b], aggsh.at[colbuf.at[i]], add=True)

                    @pl.when(q < HC // NBUF - 1)
                    def _pf():
                        gather2(i + NBUF, b)
                return carry

            lax.fori_loop(0, HC // NBUF, body, 0)
        plsc.subcore_barrier()
        with jax.named_scope("copyout"):
            nko = ZRS // CH
            for k in range(nko):
                bk = k % 2
                if k >= 2:
                    pltpu.make_async_copy(
                        bufs[bk],
                        out_hbm.at[cid, pl.ds(sid * ZRS + (k - 2) * CH, CH)],
                        sems[bk]).wait()
                pltpu.sync_copy(aggsh.at[pl.ds(sid * ZRS + k * CH, CH)],
                                bufs[bk])
                pltpu.async_copy(bufs[bk],
                                 out_hbm.at[cid, pl.ds(sid * ZRS + k * CH, CH)],
                                 sems[bk])
            for k in range(max(0, nko - 2), nko):
                bk = k % 2
                pltpu.make_async_copy(
                    bufs[bk], out_hbm.at[cid, pl.ds(sid * ZRS + k * CH, CH)],
                    sems[bk]).wait()

    return _edge_kernel



EB = 8192
NEB = E_PAD // EB


def _hist_body(col_ref, deg_ref):
    i = pl.program_id(0)

    @pl.when(i == 0)
    def _init():
        deg_ref[...] = jnp.zeros_like(deg_ref)

    c = col_ref[0, 0]
    hi = c >> 7
    lo = c & 127
    ind_hi = (hi[:, None] == lax.broadcasted_iota(jnp.int32, (EB, 128), 1)
              ).astype(jnp.bfloat16)
    ind_lo = (lo[:, None] == lax.broadcasted_iota(jnp.int32, (EB, 128), 1)
              ).astype(jnp.bfloat16)
    deg_ref[...] += lax.dot_general(
        ind_hi, ind_lo, (((0,), (0,)), ((), ())),
        preferred_element_type=jnp.float32)


def _deg_to_dis(deg):
    return jnp.where(deg > 0, lax.rsqrt(jnp.maximum(deg, 1e-12)), 0.0)



def _xw_body(x_ref, w_ref, deg_ref, u_ref):
    xw = jnp.dot(x_ref[...], w_ref[...], preferred_element_type=jnp.float32)
    u_ref[...] = xw * _deg_to_dis(deg_ref[...])



RB = 1000
NRB = N_NODES // RB


def _final_body(aggp_ref, deg_ref, batch_ref, b_ref, linw_ref, linb_ref,
                out_ref, pooled_acc, cnt_acc):
    i = pl.program_id(0)

    @pl.when(i == 0)
    def _init():
        pooled_acc[...] = jnp.zeros_like(pooled_acc)
        cnt_acc[...] = jnp.zeros_like(cnt_acc)

    a = aggp_ref[0] + aggp_ref[1]
    h = jnp.maximum(a * _deg_to_dis(deg_ref[...]) + b_ref[...], 0.0)
    bt = batch_ref[0, 0]
    ind = (bt[:, None] == lax.broadcasted_iota(jnp.int32, (RB, BATCH_SIZE), 1)
           ).astype(jnp.float32)
    pooled_acc[...] += lax.dot_general(
        ind, h, (((0,), (0,)), ((), ())), preferred_element_type=jnp.float32)
    cnt_acc[...] += jnp.sum(ind, axis=0)

    @pl.when(i == NRB - 1)
    def _fin():
        pooled = pooled_acc[...] / jnp.maximum(cnt_acc[...], 1.0)[:, None]
        out_ref[...] = jnp.dot(pooled, linw_ref[...],
                               preferred_element_type=jnp.float32) + linb_ref[...]


def kernel(x, edge_index, batch, graphs_mask, y, W, b, lin_W, lin_b):
    row = edge_index[0].astype(jnp.int32)
    col = edge_index[1].astype(jnp.int32)
    npad = E_PAD - N_EDGES
    row_p = jnp.concatenate([row, jnp.zeros((npad,), jnp.int32)])
    pad_cols = N_NODES + (jnp.arange(npad, dtype=jnp.int32) % (NPAD - N_NODES))
    col_p = jnp.concatenate([col, pad_cols])
    row_r = row_p.reshape(NW, NCHUNK, CH)
    col_r = col_p.reshape(NW, NCHUNK, CH)
    zeros_nd = jnp.zeros((CH, D_FEAT), jnp.float32)
    batch_r = batch.astype(jnp.int32).reshape(NRB, 1, RB)

    _edge_kernel = _sc_kernels()

    col_hist = col_p.reshape(NEB, 1, EB)
    deg2d = pl.pallas_call(
        _hist_body,
        grid=(NEB,),
        in_specs=[pl.BlockSpec((1, 1, EB), lambda i: (i, 0, 0))],
        out_specs=pl.BlockSpec((128, 128), lambda i: (0, 0)),
        out_shape=jax.ShapeDtypeStruct((128, 128), jnp.float32),
    )(col_hist)
    deg2 = deg2d.reshape(-1)[:N_NODES].reshape(N_NODES, 1)

    u = pl.pallas_call(
        _xw_body,
        grid=(NRB,),
        in_specs=[
            pl.BlockSpec((RB, D_FEAT), lambda i: (i, 0)),
            pl.BlockSpec((D_FEAT, HIDDEN), lambda i: (0, 0)),
            pl.BlockSpec((RB, 1), lambda i: (i, 0)),
        ],
        out_specs=pl.BlockSpec((RB, HIDDEN), lambda i: (i, 0)),
        out_shape=jax.ShapeDtypeStruct((N_NODES, HIDDEN), jnp.float32),
    )(x, W, deg2)

    agg_parts = _edge_kernel(u, row_r, col_r, zeros_nd)

    linw_pad = jnp.zeros((HIDDEN, 128), jnp.float32).at[:, :N_CLASSES].set(lin_W)
    linb_pad = jnp.zeros((128,), jnp.float32).at[:N_CLASSES].set(lin_b)

    logits_pad = pl.pallas_call(
        _final_body,
        grid=(NRB,),
        in_specs=[
            pl.BlockSpec((NC, RB, HIDDEN), lambda i: (0, i, 0)),
            pl.BlockSpec((RB, 1), lambda i: (i, 0)),
            pl.BlockSpec((1, 1, RB), lambda i: (i, 0, 0)),
            pl.BlockSpec((HIDDEN,), lambda i: (0,)),
            pl.BlockSpec((HIDDEN, 128), lambda i: (0, 0)),
            pl.BlockSpec((128,), lambda i: (0,)),
        ],
        out_specs=pl.BlockSpec((BATCH_SIZE, 128), lambda i: (0, 0)),
        out_shape=jax.ShapeDtypeStruct((BATCH_SIZE, 128), jnp.float32),
        scratch_shapes=[
            pltpu.VMEM((BATCH_SIZE, HIDDEN), jnp.float32),
            pltpu.VMEM((BATCH_SIZE,), jnp.float32),
        ],
    )(agg_parts, deg2, batch_r, b, linw_pad, linb_pad)

    return logits_pad[:, :N_CLASSES]

# --- scband reference (transcript-rebuilt; emitter-appended) ---
"""Pipeline reference for scband-gcn-for-packing-68461778698647 (READ-ONLY COPY).

The authoritative reference and input builder live on the scoring server;
editing this copy changes nothing except your own understanding.
"""

import jax, jax.numpy as jnp
import numpy as np

N_NODES = 10000
N_EDGES = 320000
D_FEAT = 128
HIDDEN = 128
N_CLASSES = 10
BATCH_SIZE = 1024


def setup_inputs(seed: int = 0) -> dict:
    key = jax.random.key(seed)
    k1, k2, k3, k4, k5, k6, k7, k8 = jax.random.split(key, 8)
    x = jax.random.normal(k1, (N_NODES, D_FEAT), dtype=jnp.float32)
    edge_index = jax.random.randint(k2, (2, N_EDGES), 0, N_NODES, dtype=jnp.int64)
    batch = jnp.sort(jax.random.randint(k3, (N_NODES,), 0, BATCH_SIZE, dtype=jnp.int64))
    graphs_mask = jnp.ones((BATCH_SIZE,), dtype=jnp.bool_)
    y = jax.random.randint(k4, (BATCH_SIZE,), 0, N_CLASSES, dtype=jnp.int64)
    # learned params: GCNConv weight/bias, final Linear weight/bias
    W = jax.random.normal(k5, (D_FEAT, HIDDEN), dtype=jnp.float32) * (1.0 / np.sqrt(D_FEAT))
    b = jnp.zeros((HIDDEN,), dtype=jnp.float32)
    lin_W = jax.random.normal(k6, (HIDDEN, N_CLASSES), dtype=jnp.float32) * (1.0 / np.sqrt(HIDDEN))
    lin_b = jnp.zeros((N_CLASSES,), dtype=jnp.float32)
    return {"x": x, "edge_index": edge_index, "batch": batch, "graphs_mask": graphs_mask, "y": y, "W": W, "b": b, "lin_W": lin_W, "lin_b": lin_b}


def reference(x, edge_index, batch, graphs_mask, y, W, b, lin_W, lin_b):
    row = edge_index[0]
    col = edge_index[1]
    # GCNConv with add_self_loops=False, normalize=True
    xw = x @ W
    ones_e = jnp.ones((row.shape[0],), dtype=jnp.float32)
    deg = jax.ops.segment_sum(ones_e, col, num_segments=N_NODES)
    deg_inv_sqrt = jnp.where(deg > 0, 1.0 / jnp.sqrt(jnp.maximum(deg, 1e-12)), 0.0)
    norm = deg_inv_sqrt[row] * deg_inv_sqrt[col]
    msgs = xw[row] * norm[:, None]
    agg = jax.ops.segment_sum(msgs, col, num_segments=N_NODES)
    h = jax.nn.relu(agg + b)
    # global_mean_pool(h, batch, size=BATCH_SIZE)
    sums = jax.ops.segment_sum(h, batch, num_segments=BATCH_SIZE)
    counts = jax.ops.segment_sum(jnp.ones((N_NODES,), dtype=jnp.float32), batch, num_segments=BATCH_SIZE)
    pooled = sums / jnp.maximum(counts, 1.0)[:, None]
    # dropout is identity in eval mode
    logits = pooled @ lin_W + lin_b
    # eval path returns logits (y/graphs_mask only used in training branch)
    return logits

if __name__ == "__main__":
    import jax
    _d = setup_inputs()
    print(jax.jit(kernel)(*tuple(_d.values())))

</pallas_src>

<mosaic_0001>
#map = affine_map<(d0, d1) -> (0, 0)>
#map1 = affine_map<(d0, d1) -> (0, 0, 0)>
module attributes {stable_mosaic.version = 14 : i64} {
  func.func @_edge_kernel(%arg0: i32, %arg1: i32, %arg2: memref<10000x128xf32, #tpu.memory_space<hbm>>, %arg3: memref<32x80x128xi32, #tpu.memory_space<hbm>>, %arg4: memref<32x80x128xi32, #tpu.memory_space<hbm>>, %arg5: memref<128x128xf32, #tpu.memory_space<hbm>>, %arg6: memref<2x10240x128xf32, #tpu.memory_space<hbm>>, %arg7: memref<40x128xi32, #tpu.memory_space<vmem>>, %arg8: memref<40x128xi32, #tpu.memory_space<vmem>>, %arg9: memref<128x128xf32, #tpu.memory_space<vmem>>, %arg10: memref<128x128xf32, #tpu.memory_space<vmem>>, %arg11: memref<10240x128xf32, #tpu.memory_space<vmem_shared>>, %arg12: memref<!tpu.dma_semaphore, #tpu.memory_space<semaphore_mem>>, %arg13: memref<!tpu.dma_semaphore, #tpu.memory_space<semaphore_mem>>, %arg14: memref<!tpu.dma_semaphore, #tpu.memory_space<semaphore_mem>>, %arg15: memref<!tpu.dma_semaphore, #tpu.memory_space<semaphore_mem>>) attributes {dimension_semantics = [#tpu.dimension_semantics<core_parallel>, #tpu.dimension_semantics<subcore_parallel>], iteration_bounds = array<i64: 2, 16>, scalar_prefetch = 0 : i64, scratch_operands = 9 : i64, tpu.core_type = #tpu.core_type<sc_vector_subcore>, window_params = [{transform_indices = #map}, {transform_indices = #map1}, {transform_indices = #map1}, {transform_indices = #map}, {transform_indices = #map1}]} {
    %mul3A = arith.constant 2 : i32
    %mul3A_0 = arith.muli %arg1, %mul3A : i32
    %add3A = arith.addi %mul3A_0, %arg0 : i32
    "tpu.trace_start"() <{level = 10 : i32, message = "zinit"}> : () -> ()
    "tpu.region"() ({
      %run_scoped3A = tpu.sem_alloc : memref<!tpu.dma_semaphore, #tpu.memory_space<semaphore_mem>>
      tpu.enqueue_dma source(%arg5 : memref<128x128xf32, #tpu.memory_space<hbm>>) target(%arg9 : memref<128x128xf32, #tpu.memory_space<vmem>>) target_semaphore(%run_scoped3A : memref<!tpu.dma_semaphore, #tpu.memory_space<semaphore_mem>>)
      tpu.wait_dma2 semaphore(%run_scoped3A : memref<!tpu.dma_semaphore, #tpu.memory_space<semaphore_mem>>) src(%arg5 : memref<128x128xf32, #tpu.memory_space<hbm>>) dst(%arg9 : memref<128x128xf32, #tpu.memory_space<vmem>>)
      tpu.yield
    }) : () -> ()
    %mul3A_1 = arith.constant 640 : i32
    %mul3A_2 = arith.muli %arg1, %mul3A_1 : i32
    %add3A_3 = arith.constant 0 : i32
    %add3A_4 = arith.addi %mul3A_2, %add3A_3 : i32
    "tpu.region"() ({
      %run_scoped3A = tpu.sem_alloc : memref<!tpu.dma_semaphore, #tpu.memory_space<semaphore_mem>>
      %dma_start3A_231 = arith.constant 0 : i32
      %dma_start3A_232 = tpu.memref_slice %arg11[%add3A_4, %dma_start3A_231] : memref<10240x128xf32, #tpu.memory_space<vmem_shared>> -> memref<128x128xf32, #tpu.memory_space<vmem_shared>>
      %dma_start3A_233 = arith.constant 0 : i32
      %dma_start3A_234 = tpu.memref_slice %arg11[%add3A_4, %dma_start3A_233] : memref<10240x128xf32, #tpu.memory_space<vmem_shared>> -> memref<128x128xf32, #tpu.memory_space<vmem_shared>>
      tpu.enqueue_dma source(%arg9 : memref<128x128xf32, #tpu.memory_space<vmem>>) target(%dma_start3A_234 : memref<128x128xf32, #tpu.memory_space<vmem_shared>>) target_semaphore(%run_scoped3A : memref<!tpu.dma_semaphore, #tpu.memory_space<semaphore_mem>>)
      %dma_wait3A_235 = arith.constant 0 : i32
      %dma_wait3A_236 = tpu.memref_slice %arg11[%add3A_4, %dma_wait3A_235] : memref<10240x128xf32, #tpu.memory_space<vmem_shared>> -> memref<128x128xf32, #tpu.memory_space<vmem_shared>>
      %dma_wait3A_237 = arith.constant 0 : i32
      %dma_wait3A_238 = tpu.memref_slice %arg11[%add3A_4, %dma_wait3A_237] : memref<10240x128xf32, #tpu.memory_space<vmem_shared>> -> memref<128x128xf32, #tpu.memory_space<vmem_shared>>
      tpu.wait_dma2 semaphore(%run_scoped3A : memref<!tpu.dma_semaphore, #tpu.memory_space<semaphore_mem>>) src(%arg9 : memref<128x128xf32, #tpu.memory_space<vmem>>) dst(%dma_wait3A_238 : memref<128x128xf32, #tpu.memory_space<vmem_shared>>)
      tpu.yield
    }) : () -> ()
    %mul3A_5 = arith.constant 640 : i32
    %mul3A_6 = arith.muli %arg1, %mul3A_5 : i32
    %add3A_7 = arith.constant 128 : i32
    %add3A_8 = arith.addi %mul3A_6, %add3A_7 : i32
    "tpu.region"() ({
      %run_scoped3A = tpu.sem_alloc : memref<!tpu.dma_semaphore, #tpu.memory_space<semaphore_mem>>
      %dma_start3A_231 = arith.constant 0 : i32
      %dma_start3A_232 = tpu.memref_slice %arg11[%add3A_8, %dma_start3A_231] : memref<10240x128xf32, #tpu.memory_space<vmem_shared>> -> memref<128x128xf32, #tpu.memory_space<vmem_shared>>
      %dma_start3A_233 = arith.constant 0 : i32
      %dma_start3A_234 = tpu.memref_slice %arg11[%add3A_8, %dma_start3A_233] : memref<10240x128xf32, #tpu.memory_space<vmem_shared>> -> memref<128x128xf32, #tpu.memory_space<vmem_shared>>
      tpu.enqueue_dma source(%arg9 : memref<128x128xf32, #tpu.memory_space<vmem>>) target(%dma_start3A_234 : memref<128x128xf32, #tpu.memory_space<vmem_shared>>) target_semaphore(%run_scoped3A : memref<!tpu.dma_semaphore, #tpu.memory_space<semaphore_mem>>)
      %dma_wait3A_235 = arith.constant 0 : i32
      %dma_wait3A_236 = tpu.memref_slice %arg11[%add3A_8, %dma_wait3A_235] : memref<10240x128xf32, #tpu.memory_space<vmem_shared>> -> memref<128x128xf32, #tpu.memory_space<vmem_shared>>
      %dma_wait3A_237 = arith.constant 0 : i32
      %dma_wait3A_238 = tpu.memref_slice %arg11[%add3A_8, %dma_wait3A_237] : memref<10240x128xf32, #tpu.memory_space<vmem_shared>> -> memref<128x128xf32, #tpu.memory_space<vmem_shared>>
      tpu.wait_dma2 semaphore(%run_scoped3A : memref<!tpu.dma_semaphore, #tpu.memory_space<semaphore_mem>>) src(%arg9 : memref<128x128xf32, #tpu.memory_space<vmem>>) dst(%dma_wait3A_238 : memref<128x128xf32, #tpu.memory_space<vmem_shared>>)
      tpu.yield
    }) : () -> ()
    %mul3A_9 = arith.constant 640 : i32
    %mul3A_10 = arith.muli %arg1, %mul3A_9 : i32
    %add3A_11 = arith.constant 256 : i32
    %add3A_12 = arith.addi %mul3A_10, %add3A_11 : i32
    "tpu.region"() ({
      %run_scoped3A = tpu.sem_alloc : memref<!tpu.dma_semaphore, #tpu.memory_space<semaphore_mem>>
      %dma_start3A_231 = arith.constant 0 : i32
      %dma_start3A_232 = tpu.memref_slice %arg11[%add3A_12, %dma_start3A_231] : memref<10240x128xf32, #tpu.memory_space<vmem_shared>> -> memref<128x128xf32, #tpu.memory_space<vmem_shared>>
      %dma_start3A_233 = arith.constant 0 : i32
      %dma_start3A_234 = tpu.memref_slice %arg11[%add3A_12, %dma_start3A_233] : memref<10240x128xf32, #tpu.memory_space<vmem_shared>> -> memref<128x128xf32, #tpu.memory_space<vmem_shared>>
      tpu.enqueue_dma source(%arg9 : memref<128x128xf32, #tpu.memory_space<vmem>>) target(%dma_start3A_234 : memref<128x128xf32, #tpu.memory_space<vmem_shared>>) target_semaphore(%run_scoped3A : memref<!tpu.dma_semaphore, #tpu.memory_space<semaphore_mem>>)
      %dma_wait3A_235 = arith.constant 0 : i32
      %dma_wait3A_236 = tpu.memref_slice %arg11[%add3A_12, %dma_wait3A_235] : memref<10240x128xf32, #tpu.memory_space<vmem_shared>> -> memref<128x128xf32, #tpu.memory_space<vmem_shared>>
      %dma_wait3A_237 = arith.constant 0 : i32
      %dma_wait3A_238 = tpu.memref_slice %arg11[%add3A_12, %dma_wait3A_237] : memref<10240x128xf32, #tpu.memory_space<vmem_shared>> -> memref<128x128xf32, #tpu.memory_space<vmem_shared>>
      tpu.wait_dma2 semaphore(%run_scoped3A : memref<!tpu.dma_semaphore, #tpu.memory_space<semaphore_mem>>) src(%arg9 : memref<128x128xf32, #tpu.memory_space<vmem>>) dst(%dma_wait3A_238 : memref<128x128xf32, #tpu.memory_space<vmem_shared>>)
      tpu.yield
    }) : () -> ()
    %mul3A_13 = arith.constant 640 : i32
    %mul3A_14 = arith.muli %arg1, %mul3A_13 : i32
    %add3A_15 = arith.constant 384 : i32
    %add3A_16 = arith.addi %mul3A_14, %add3A_15 : i32
    "tpu.region"() ({
      %run_scoped3A = tpu.sem_alloc : memref<!tpu.dma_semaphore, #tpu.memory_space<semaphore_mem>>
      %dma_start3A_231 = arith.constant 0 : i32
      %dma_start3A_232 = tpu.memref_slice %arg11[%add3A_16, %dma_start3A_231] : memref<10240x128xf32, #tpu.memory_space<vmem_shared>> -> memref<128x128xf32, #tpu.memory_space<vmem_shared>>
      %dma_start3A_233 = arith.constant 0 : i32
      %dma_start3A_234 = tpu.memref_slice %arg11[%add3A_16, %dma_start3A_233] : memref<10240x128xf32, #tpu.memory_space<vmem_shared>> -> memref<128x128xf32, #tpu.memory_space<vmem_shared>>
      tpu.enqueue_dma source(%arg9 : memref<128x128xf32, #tpu.memory_space<vmem>>) target(%dma_start3A_234 : memref<128x128xf32, #tpu.memory_space<vmem_shared>>) target_semaphore(%run_scoped3A : memref<!tpu.dma_semaphore, #tpu.memory_space<semaphore_mem>>)
      %dma_wait3A_235 = arith.constant 0 : i32
      %dma_wait3A_236 = tpu.memref_slice %arg11[%add3A_16, %dma_wait3A_235] : memref<10240x128xf32, #tpu.memory_space<vmem_shared>> -> memref<128x128xf32, #tpu.memory_space<vmem_shared>>
      %dma_wait3A_237 = arith.constant 0 : i32
      %dma_wait3A_238 = tpu.memref_slice %arg11[%add3A_16, %dma_wait3A_237] : memref<10240x128xf32, #tpu.memory_space<vmem_shared>> -> memref<128x128xf32, #tpu.memory_space<vmem_shared>>
      tpu.wait_dma2 semaphore(%run_scoped3A : memref<!tpu.dma_semaphore, #tpu.memory_space<semaphore_mem>>) src(%arg9 : memref<128x128xf32, #tpu.memory_space<vmem>>) dst(%dma_wait3A_238 : memref<128x128xf32, #tpu.memory_space<vmem_shared>>)
      tpu.yield
    }) : () -> ()
    %mul3A_17 = arith.constant 640 : i32
    %mul3A_18 = arith.muli %arg1, %mul3A_17 : i32
    %add3A_19 = arith.constant 512 : i32
    %add3A_20 = arith.addi %mul3A_18, %add3A_19 : i32
    "tpu.region"() ({
      %run_scoped3A = tpu.sem_alloc : memref<!tpu.dma_semaphore, #tpu.memory_space<semaphore_mem>>
      %dma_start3A_231 = arith.constant 0 : i32
      %dma_start3A_232 = tpu.memref_slice %arg11[%add3A_20, %dma_start3A_231] : memref<10240x128xf32, #tpu.memory_space<vmem_shared>> -> memref<128x128xf32, #tpu.memory_space<vmem_shared>>
      %dma_start3A_233 = arith.constant 0 : i32
      %dma_start3A_234 = tpu.memref_slice %arg11[%add3A_20, %dma_start3A_233] : memref<10240x128xf32, #tpu.memory_space<vmem_shared>> -> memref<128x128xf32, #tpu.memory_space<vmem_shared>>
      tpu.enqueue_dma source(%arg9 : memref<128x128xf32, #tpu.memory_space<vmem>>) target(%dma_start3A_234 : memref<128x128xf32, #tpu.memory_space<vmem_shared>>) target_semaphore(%run_scoped3A : memref<!tpu.dma_semaphore, #tpu.memory_space<semaphore_mem>>)
      %dma_wait3A_235 = arith.constant 0 : i32
      %dma_wait3A_236 = tpu.memref_slice %arg11[%add3A_20, %dma_wait3A_235] : memref<10240x128xf32, #tpu.memory_space<vmem_shared>> -> memref<128x128xf32, #tpu.memory_space<vmem_shared>>
      %dma_wait3A_237 = arith.constant 0 : i32
      %dma_wait3A_238 = tpu.memref_slice %arg11[%add3A_20, %dma_wait3A_237] : memref<10240x128xf32, #tpu.memory_space<vmem_shared>> -> memref<128x128xf32, #tpu.memory_space<vmem_shared>>
      tpu.wait_dma2 semaphore(%run_scoped3A : memref<!tpu.dma_semaphore, #tpu.memory_space<semaphore_mem>>) src(%arg9 : memref<128x128xf32, #tpu.memory_space<vmem>>) dst(%dma_wait3A_238 : memref<128x128xf32, #tpu.memory_space<vmem_shared>>)
      tpu.yield
    }) : () -> ()
    %barrier3A = arith.constant 0 : index
    tpu.barrier barrier_id(%barrier3A)
    "tpu.trace_stop"() : () -> ()
    "tpu.trace_start"() <{level = 10 : i32, message = "mainloop0"}> : () -> ()
    "tpu.region"() ({
      %run_scoped3A = tpu.sem_alloc : memref<!tpu.dma_semaphore, #tpu.memory_space<semaphore_mem>>
      %dma_start3A_231 = arith.constant 0 : i32
      %dma_start3A_232 = arith.constant 0 : i32
      %dma_start3A_233 = tpu.memref_slice %arg3[%add3A, %dma_start3A_231, %dma_start3A_232] : memref<32x80x128xi32, #tpu.memory_space<hbm>> -> memref<1x40x128xi32, #tpu.memory_space<hbm>>
      %dma_start3A_234 = tpu.memref_squeeze %dma_start3A_233 : memref<1x40x128xi32, #tpu.memory_space<hbm>> -> memref<40x128xi32, #tpu.memory_space<hbm>>
      %dma_start3A_235 = arith.constant 0 : i32
      %dma_start3A_236 = arith.constant 0 : i32
      %dma_start3A_237 = tpu.memref_slice %arg3[%add3A, %dma_start3A_235, %dma_start3A_236] : memref<32x80x128xi32, #tpu.memory_space<hbm>> -> memref<1x40x128xi32, #tpu.memory_space<hbm>>
      %dma_start3A_238 = tpu.memref_squeeze %dma_start3A_237 : memref<1x40x128xi32, #tpu.memory_space<hbm>> -> memref<40x128xi32, #tpu.memory_space<hbm>>
      tpu.enqueue_dma source(%dma_start3A_238 : memref<40x128xi32, #tpu.memory_space<hbm>>) target(%arg7 : memref<40x128xi32, #tpu.memory_space<vmem>>) target_semaphore(%run_scoped3A : memref<!tpu.dma_semaphore, #tpu.memory_space<semaphore_mem>>)
      %dma_wait3A_239 = arith.constant 0 : i32
      %dma_wait3A_240 = arith.constant 0 : i32
      %dma_wait3A_241 = tpu.memref_slice %arg3[%add3A, %dma_wait3A_239, %dma_wait3A_240] : memref<32x80x128xi32, #tpu.memory_space<hbm>> -> memref<1x40x128xi32, #tpu.memory_space<hbm>>
      %dma_wait3A_242 = tpu.memref_squeeze %dma_wait3A_241 : memref<1x40x128xi32, #tpu.memory_space<hbm>> -> memref<40x128xi32, #tpu.memory_space<hbm>>
      %dma_wait3A_243 = arith.constant 0 : i32
      %dma_wait3A_244 = arith.constant 0 : i32
      %dma_wait3A_245 = tpu.memref_slice %arg3[%add3A, %dma_wait3A_243, %dma_wait3A_244] : memref<32x80x128xi32, #tpu.memory_space<hbm>> -> memref<1x40x128xi32, #tpu.memory_space<hbm>>
      %dma_wait3A_246 = tpu.memref_squeeze %dma_wait3A_245 : memref<1x40x128xi32, #tpu.memory_space<hbm>> -> memref<40x128xi32, #tpu.memory_space<hbm>>
      tpu.wait_dma2 semaphore(%run_scoped3A : memref<!tpu.dma_semaphore, #tpu.memory_space<semaphore_mem>>) src(%dma_wait3A_246 : memref<40x128xi32, #tpu.memory_space<hbm>>) dst(%arg7 : memref<40x128xi32, #tpu.memory_space<vmem>>)
      tpu.yield
    }) : () -> ()
    "tpu.region"() ({
      %run_scoped3A = tpu.sem_alloc : memref<!tpu.dma_semaphore, #tpu.memory_space<semaphore_mem>>
      %dma_start3A_231 = arith.constant 0 : i32
      %dma_start3A_232 = arith.constant 0 : i32
      %dma_start3A_233 = tpu.memref_slice %arg4[%add3A, %dma_start3A_231, %dma_start3A_232] : memref<32x80x128xi32, #tpu.memory_space<hbm>> -> memref<1x40x128xi32, #tpu.memory_space<hbm>>
      %dma_start3A_234 = tpu.memref_squeeze %dma_start3A_233 : memref<1x40x128xi32, #tpu.memory_space<hbm>> -> memref<40x128xi32, #tpu.memory_space<hbm>>
      %dma_start3A_235 = arith.constant 0 : i32
      %dma_start3A_236 = arith.constant 0 : i32
      %dma_start3A_237 = tpu.memref_slice %arg4[%add3A, %dma_start3A_235, %dma_start3A_236] : memref<32x80x128xi32, #tpu.memory_space<hbm>> -> memref<1x40x128xi32, #tpu.memory_space<hbm>>
      %dma_start3A_238 = tpu.memref_squeeze %dma_start3A_237 : memref<1x40x128xi32, #tpu.memory_space<hbm>> -> memref<40x128xi32, #tpu.memory_space<hbm>>
      tpu.enqueue_dma source(%dma_start3A_238 : memref<40x128xi32, #tpu.memory_space<hbm>>) target(%arg8 : memref<40x128xi32, #tpu.memory_space<vmem>>) target_semaphore(%run_scoped3A : memref<!tpu.dma_semaphore, #tpu.memory_space<semaphore_mem>>)
      %dma_wait3A_239 = arith.constant 0 : i32
      %dma_wait3A_240 = arith.constant 0 : i32
      %dma_wait3A_241 = tpu.memref_slice %arg4[%add3A, %dma_wait3A_239, %dma_wait3A_240] : memref<32x80x128xi32, #tpu.memory_space<hbm>> -> memref<1x40x128xi32, #tpu.memory_space<hbm>>
      %dma_wait3A_242 = tpu.memref_squeeze %dma_wait3A_241 : memref<1x40x128xi32, #tpu.memory_space<hbm>> -> memref<40x128xi32, #tpu.memory_space<hbm>>
      %dma_wait3A_243 = arith.constant 0 : i32
      %dma_wait3A_244 = arith.constant 0 : i32
      %dma_wait3A_245 = tpu.memref_slice %arg4[%add3A, %dma_wait3A_243, %dma_wait3A_244] : memref<32x80x128xi32, #tpu.memory_space<hbm>> -> memref<1x40x128xi32, #tpu.memory_space<hbm>>
      %dma_wait3A_246 = tpu.memref_squeeze %dma_wait3A_245 : memref<1x40x128xi32, #tpu.memory_space<hbm>> -> memref<40x128xi32, #tpu.memory_space<hbm>>
      tpu.wait_dma2 semaphore(%run_scoped3A : memref<!tpu.dma_semaphore, #tpu.memory_space<semaphore_mem>>) src(%dma_wait3A_246 : memref<40x128xi32, #tpu.memory_space<hbm>>) dst(%arg8 : memref<40x128xi32, #tpu.memory_space<vmem>>)
      tpu.yield
    }) : () -> ()
    %dma_start3A = arith.constant 0 : i32
    %dma_start3A_21 = arith.constant 0 : i32
    %dma_start3A_22 = arith.constant 0 : i32
    %dma_start3A_23 = tpu.memref_slice %arg9[%dma_start3A_21, %dma_start3A_22] : memref<128x128xf32, #tpu.memory_space<vmem>> -> memref<64x128xf32, #tpu.memory_space<vmem>>
    %dma_start3A_24 = arith.constant 0 : i32
    %dma_start3A_25 = tpu.memref_slice %arg7[%dma_start3A, %dma_start3A_24] : memref<40x128xi32, #tpu.memory_space<vmem>> -> memref<1x64xi32, #tpu.memory_space<vmem>>
    %dma_start3A_26 = tpu.memref_squeeze %dma_start3A_25 : memref<1x64xi32, #tpu.memory_space<vmem>> -> memref<64xi32, #tpu.memory_space<vmem>>
    %dma_start3A_27 = arith.constant 0 : i32
    %dma_start3A_28 = arith.constant 0 : i32
    %dma_start3A_29 = tpu.memref_slice %arg2[%dma_start3A_27, %dma_start3A_28] : memref<10000x128xf32, #tpu.memory_space<hbm>> -> memref<10000x128xf32, #tpu.memory_space<hbm>>
    tpu.enqueue_indirect_dma source(%dma_start3A_29 : memref<10000x128xf32, #tpu.memory_space<hbm>>) target(%dma_start3A_23 : memref<64x128xf32, #tpu.memory_space<vmem>>) offsets(%dma_start3A_26 : memref<64xi32, #tpu.memory_space<vmem>>) semaphore(%arg12 : memref<!tpu.dma_semaphore, #tpu.memory_space<semaphore_mem>>)
    %dma_start3A_30 = arith.constant 0 : i32
    %dma_start3A_31 = arith.constant 64 : i32
    %dma_start3A_32 = arith.constant 0 : i32
    %dma_start3A_33 = tpu.memref_slice %arg9[%dma_start3A_31, %dma_start3A_32] : memref<128x128xf32, #tpu.memory_space<vmem>> -> memref<64x128xf32, #tpu.memory_space<vmem>>
    %dma_start3A_34 = arith.constant 64 : i32
    %dma_start3A_35 = tpu.memref_slice %arg7[%dma_start3A_30, %dma_start3A_34] : memref<40x128xi32, #tpu.memory_space<vmem>> -> memref<1x64xi32, #tpu.memory_space<vmem>>
    %dma_start3A_36 = tpu.memref_squeeze %dma_start3A_35 : memref<1x64xi32, #tpu.memory_space<vmem>> -> memref<64xi32, #tpu.memory_space<vmem>>
    %dma_start3A_37 = arith.constant 0 : i32
    %dma_start3A_38 = arith.constant 0 : i32
    %dma_start3A_39 = tpu.memref_slice %arg2[%dma_start3A_37, %dma_start3A_38] : memref<10000x128xf32, #tpu.memory_space<hbm>> -> memref<10000x128xf32, #tpu.memory_space<hbm>>
    tpu.enqueue_indirect_dma source(%dma_start3A_39 : memref<10000x128xf32, #tpu.memory_space<hbm>>) target(%dma_start3A_33 : memref<64x128xf32, #tpu.memory_space<vmem>>) offsets(%dma_start3A_36 : memref<64xi32, #tpu.memory_space<vmem>>) semaphore(%arg13 : memref<!tpu.dma_semaphore, #tpu.memory_space<semaphore_mem>>)
    %dma_start3A_40 = arith.constant 1 : i32
    %dma_start3A_41 = arith.constant 0 : i32
    %dma_start3A_42 = arith.constant 0 : i32
    %dma_start3A_43 = tpu.memref_slice %arg10[%dma_start3A_41, %dma_start3A_42] : memref<128x128xf32, #tpu.memory_space<vmem>> -> memref<64x128xf32, #tpu.memory_space<vmem>>
    %dma_start3A_44 = arith.constant 0 : i32
    %dma_start3A_45 = tpu.memref_slice %arg7[%dma_start3A_40, %dma_start3A_44] : memref<40x128xi32, #tpu.memory_space<vmem>> -> memref<1x64xi32, #tpu.memory_space<vmem>>
    %dma_start3A_46 = tpu.memref_squeeze %dma_start3A_45 : memref<1x64xi32, #tpu.memory_space<vmem>> -> memref<64xi32, #tpu.memory_space<vmem>>
    %dma_start3A_47 = arith.constant 0 : i32
    %dma_start3A_48 = arith.constant 0 : i32
    %dma_start3A_49 = tpu.memref_slice %arg2[%dma_start3A_47, %dma_start3A_48] : memref<10000x128xf32, #tpu.memory_space<hbm>> -> memref<10000x128xf32, #tpu.memory_space<hbm>>
    tpu.enqueue_indirect_dma source(%dma_start3A_49 : memref<10000x128xf32, #tpu.memory_space<hbm>>) target(%dma_start3A_43 : memref<64x128xf32, #tpu.memory_space<vmem>>) offsets(%dma_start3A_46 : memref<64xi32, #tpu.memory_space<vmem>>) semaphore(%arg14 : memref<!tpu.dma_semaphore, #tpu.memory_space<semaphore_mem>>)
    %dma_start3A_50 = arith.constant 1 : i32
    %dma_start3A_51 = arith.constant 64 : i32
    %dma_start3A_52 = arith.constant 0 : i32
    %dma_start3A_53 = tpu.memref_slice %arg10[%dma_start3A_51, %dma_start3A_52] : memref<128x128xf32, #tpu.memory_space<vmem>> -> memref<64x128xf32, #tpu.memory_space<vmem>>
    %dma_start3A_54 = arith.constant 64 : i32
    %dma_start3A_55 = tpu.memref_slice %arg7[%dma_start3A_50, %dma_start3A_54] : memref<40x128xi32, #tpu.memory_space<vmem>> -> memref<1x64xi32, #tpu.memory_space<vmem>>
    %dma_start3A_56 = tpu.memref_squeeze %dma_start3A_55 : memref<1x64xi32, #tpu.memory_space<vmem>> -> memref<64xi32, #tpu.memory_space<vmem>>
    %dma_start3A_57 = arith.constant 0 : i32
    %dma_start3A_58 = arith.constant 0 : i32
    %dma_start3A_59 = tpu.memref_slice %arg2[%dma_start3A_57, %dma_start3A_58] : memref<10000x128xf32, #tpu.memory_space<hbm>> -> memref<10000x128xf32, #tpu.memory_space<hbm>>
    tpu.enqueue_indirect_dma source(%dma_start3A_59 : memref<10000x128xf32, #tpu.memory_space<hbm>>) target(%dma_start3A_53 : memref<64x128xf32, #tpu.memory_space<vmem>>) offsets(%dma_start3A_56 : memref<64xi32, #tpu.memory_space<vmem>>) semaphore(%arg15 : memref<!tpu.dma_semaphore, #tpu.memory_space<semaphore_mem>>)
    %scan3A = arith.constant 0 : i32
    %scan3A_60 = arith.constant 0 : i32
    %scan3A_61 = arith.constant 20 : i32
    %scan3A_62 = arith.addi %scan3A_60, %scan3A_61 : i32
    %scan3A_63 = arith.constant 1 : i32
    scf.for %scan3A_231 = %scan3A_60 to %scan3A_62 step %scan3A_63  : i32 {
      %mul3A_232 = arith.constant 2 : i32
      %mul3A_233 = arith.muli %scan3A_231, %mul3A_232 : i32
      %add3A_234 = arith.constant 0 : i32
      %add3A_235 = arith.addi %mul3A_233, %add3A_234 : i32
      %dma_wait3A_236 = arith.constant 0 : i32
      %dma_wait3A_237 = arith.constant 0 : i32
      %dma_wait3A_238 = tpu.memref_slice %arg9[%dma_wait3A_236, %dma_wait3A_237] : memref<128x128xf32, #tpu.memory_space<vmem>> -> memref<64x128xf32, #tpu.memory_space<vmem>>
      %dma_wait3A_239 = arith.constant 0 : i32
      %dma_wait3A_240 = tpu.memref_slice %arg7[%add3A_235, %dma_wait3A_239] : memref<40x128xi32, #tpu.memory_space<vmem>> -> memref<1x64xi32, #tpu.memory_space<vmem>>
      %dma_wait3A_241 = tpu.memref_squeeze %dma_wait3A_240 : memref<1x64xi32, #tpu.memory_space<vmem>> -> memref<64xi32, #tpu.memory_space<vmem>>
      %dma_wait3A_242 = arith.constant 0 : i32
      %dma_wait3A_243 = arith.constant 0 : i32
      %dma_wait3A_244 = tpu.memref_slice %arg2[%dma_wait3A_242, %dma_wait3A_243] : memref<10000x128xf32, #tpu.memory_space<hbm>> -> memref<10000x128xf32, #tpu.memory_space<hbm>>
      tpu.wait_indirect_dma semaphore(%arg12 : memref<!tpu.dma_semaphore, #tpu.memory_space<semaphore_mem>>) src(%dma_wait3A_244 : memref<10000x128xf32, #tpu.memory_space<hbm>>) dst(%dma_wait3A_238 : memref<64x128xf32, #tpu.memory_space<vmem>>)
      %dma_wait3A_245 = arith.constant 64 : i32
      %dma_wait3A_246 = arith.constant 0 : i32
      %dma_wait3A_247 = tpu.memref_slice %arg9[%dma_wait3A_245, %dma_wait3A_246] : memref<128x128xf32, #tpu.memory_space<vmem>> -> memref<64x128xf32, #tpu.memory_space<vmem>>
      %dma_wait3A_248 = arith.constant 64 : i32
      %dma_wait3A_249 = tpu.memref_slice %arg7[%add3A_235, %dma_wait3A_248] : memref<40x128xi32, #tpu.memory_space<vmem>> -> memref<1x64xi32, #tpu.memory_space<vmem>>
      %dma_wait3A_250 = tpu.memref_squeeze %dma_wait3A_249 : memref<1x64xi32, #tpu.memory_space<vmem>> -> memref<64xi32, #tpu.memory_space<vmem>>
      %dma_wait3A_251 = arith.constant 0 : i32
      %dma_wait3A_252 = arith.constant 0 : i32
      %dma_wait3A_253 = tpu.memref_slice %arg2[%dma_wait3A_251, %dma_wait3A_252] : memref<10000x128xf32, #tpu.memory_space<hbm>> -> memref<10000x128xf32, #tpu.memory_space<hbm>>
      tpu.wait_indirect_dma semaphore(%arg13 : memref<!tpu.dma_semaphore, #tpu.memory_space<semaphore_mem>>) src(%dma_wait3A_253 : memref<10000x128xf32, #tpu.memory_space<hbm>>) dst(%dma_wait3A_247 : memref<64x128xf32, #tpu.memory_space<vmem>>)
      "tpu.region"() ({
        %run_scoped3A = tpu.sem_alloc : memref<!tpu.dma_semaphore, #tpu.memory_space<semaphore_mem>>
        %dma_start3A_283 = arith.constant 0 : i32
        %dma_start3A_284 = tpu.memref_slice %arg8[%add3A_235, %dma_start3A_283] : memref<40x128xi32, #tpu.memory_space<vmem>> -> memref<1x128xi32, #tpu.memory_space<vmem>>
        %dma_start3A_285 = tpu.memref_squeeze %dma_start3A_284 : memref<1x128xi32, #tpu.memory_space<vmem>> -> memref<128xi32, #tpu.memory_space<vmem>>
        %dma_start3A_286 = arith.constant 0 : i32
        %dma_start3A_287 = arith.constant 0 : i32
        %dma_start3A_288 = tpu.memref_slice %arg11[%dma_start3A_286, %dma_start3A_287] : memref<10240x128xf32, #tpu.memory_space<vmem_shared>> -> memref<10240x128xf32, #tpu.memory_space<vmem_shared>>
        tpu.enqueue_indirect_dma source(%arg9 : memref<128x128xf32, #tpu.memory_space<vmem>>) target(%dma_start3A_288 : memref<10240x128xf32, #tpu.memory_space<vmem_shared>>) offsets(%dma_start3A_285 : memref<128xi32, #tpu.memory_space<vmem>>) semaphore(%run_scoped3A : memref<!tpu.dma_semaphore, #tpu.memory_space<semaphore_mem>>) {add = true}
        %dma_wait3A_289 = arith.constant 0 : i32
        %dma_wait3A_290 = tpu.memref_slice %arg8[%add3A_235, %dma_wait3A_289] : memref<40x128xi32, #tpu.memory_space<vmem>> -> memref<1x128xi32, #tpu.memory_space<vmem>>
        %dma_wait3A_291 = tpu.memref_squeeze %dma_wait3A_290 : memref<1x128xi32, #tpu.memory_space<vmem>> -> memref<128xi32, #tpu.memory_space<vmem>>
        %dma_wait3A_292 = arith.constant 0 : i32
        %dma_wait3A_293 = arith.constant 0 : i32
        %dma_wait3A_294 = tpu.memref_slice %arg11[%dma_wait3A_292, %dma_wait3A_293] : memref<10240x128xf32, #tpu.memory_space<vmem_shared>> -> memref<10240x128xf32, #tpu.memory_space<vmem_shared>>
        tpu.wait_indirect_dma semaphore(%run_scoped3A : memref<!tpu.dma_semaphore, #tpu.memory_space<semaphore_mem>>) src(%arg9 : memref<128x128xf32, #tpu.memory_space<vmem>>) dst(%dma_wait3A_294 : memref<10240x128xf32, #tpu.memory_space<vmem_shared>>)
        tpu.yield
      }) : () -> ()
      %lt3A = arith.constant 19 : i32
      %lt3A_254 = arith.cmpi slt, %scan3A_231, %lt3A : i32
      %convert_element_type3A = arith.extui %lt3A_254 : i1 to i32
      %cond3A = arith.constant 0 : i32
      %cond3A_255 = arith.cmpi ne, %convert_element_type3A, %cond3A : i32
      scf.if %cond3A_255 {
        %add3A_283 = arith.constant 2 : i32
        %add3A_284 = arith.addi %add3A_235, %add3A_283 : i32
        %dma_start3A_285 = arith.constant 0 : i32
        %dma_start3A_286 = arith.constant 0 : i32
        %dma_start3A_287 = tpu.memref_slice %arg9[%dma_start3A_285, %dma_start3A_286] : memref<128x128xf32, #tpu.memory_space<vmem>> -> memref<64x128xf32, #tpu.memory_space<vmem>>
        %dma_start3A_288 = arith.constant 0 : i32
        %dma_start3A_289 = tpu.memref_slice %arg7[%add3A_284, %dma_start3A_288] : memref<40x128xi32, #tpu.memory_space<vmem>> -> memref<1x64xi32, #tpu.memory_space<vmem>>
        %dma_start3A_290 = tpu.memref_squeeze %dma_start3A_289 : memref<1x64xi32, #tpu.memory_space<vmem>> -> memref<64xi32, #tpu.memory_space<vmem>>
        %dma_start3A_291 = arith.constant 0 : i32
        %dma_start3A_292 = arith.constant 0 : i32
        %dma_start3A_293 = tpu.memref_slice %arg2[%dma_start3A_291, %dma_start3A_292] : memref<10000x128xf32, #tpu.memory_space<hbm>> -> memref<10000x128xf32, #tpu.memory_space<hbm>>
        tpu.enqueue_indirect_dma source(%dma_start3A_293 : memref<10000x128xf32, #tpu.memory_space<hbm>>) target(%dma_start3A_287 : memref<64x128xf32, #tpu.memory_space<vmem>>) offsets(%dma_start3A_290 : memref<64xi32, #tpu.memory_space<vmem>>) semaphore(%arg12 : memref<!tpu.dma_semaphore, #tpu.memory_space<semaphore_mem>>)
        %dma_start3A_294 = arith.constant 64 : i32
        %dma_start3A_295 = arith.constant 0 : i32
        %dma_start3A_296 = tpu.memref_slice %arg9[%dma_start3A_294, %dma_start3A_295] : memref<128x128xf32, #tpu.memory_space<vmem>> -> memref<64x128xf32, #tpu.memory_space<vmem>>
        %dma_start3A_297 = arith.constant 64 : i32
        %dma_start3A_298 = tpu.memref_slice %arg7[%add3A_284, %dma_start3A_297] : memref<40x128xi32, #tpu.memory_space<vmem>> -> memref<1x64xi32, #tpu.memory_space<vmem>>
        %dma_start3A_299 = tpu.memref_squeeze %dma_start3A_298 : memref<1x64xi32, #tpu.memory_space<vmem>> -> memref<64xi32, #tpu.memory_space<vmem>>
        %dma_start3A_300 = arith.constant 0 : i32
        %dma_start3A_301 = arith.constant 0 : i32
        %dma_start3A_302 = tpu.memref_slice %arg2[%dma_start3A_300, %dma_start3A_301] : memref<10000x128xf32, #tpu.memory_space<hbm>> -> memref<10000x128xf32, #tpu.memory_space<hbm>>
        tpu.enqueue_indirect_dma source(%dma_start3A_302 : memref<10000x128xf32, #tpu.memory_space<hbm>>) target(%dma_start3A_296 : memref<64x128xf32, #tpu.memory_space<vmem>>) offsets(%dma_start3A_299 : memref<64xi32, #tpu.memory_space<vmem>>) semaphore(%arg13 : memref<!tpu.dma_semaphore, #tpu.memory_space<semaphore_mem>>)
      } else {
      }
      %mul3A_256 = arith.constant 2 : i32
      %mul3A_257 = arith.muli %scan3A_231, %mul3A_256 : i32
      %add3A_258 = arith.constant 1 : i32
      %add3A_259 = arith.addi %mul3A_257, %add3A_258 : i32
      %dma_wait3A_260 = arith.constant 0 : i32
      %dma_wait3A_261 = arith.constant 0 : i32
      %dma_wait3A_262 = tpu.memref_slice %arg10[%dma_wait3A_260, %dma_wait3A_261] : memref<128x128xf32, #tpu.memory_space<vmem>> -> memref<64x128xf32, #tpu.memory_space<vmem>>
      %dma_wait3A_263 = arith.constant 0 : i32
      %dma_wait3A_264 = tpu.memref_slice %arg7[%add3A_259, %dma_wait3A_263] : memref<40x128xi32, #tpu.memory_space<vmem>> -> memref<1x64xi32, #tpu.memory_space<vmem>>
      %dma_wait3A_265 = tpu.memref_squeeze %dma_wait3A_264 : memref<1x64xi32, #tpu.memory_space<vmem>> -> memref<64xi32, #tpu.memory_space<vmem>>
      %dma_wait3A_266 = arith.constant 0 : i32
      %dma_wait3A_267 = arith.constant 0 : i32
      %dma_wait3A_268 = tpu.memref_slice %arg2[%dma_wait3A_266, %dma_wait3A_267] : memref<10000x128xf32, #tpu.memory_space<hbm>> -> memref<10000x128xf32, #tpu.memory_space<hbm>>
      tpu.wait_indirect_dma semaphore(%arg14 : memref<!tpu.dma_semaphore, #tpu.memory_space<semaphore_mem>>) src(%dma_wait3A_268 : memref<10000x128xf32, #tpu.memory_space<hbm>>) dst(%dma_wait3A_262 : memref<64x128xf32, #tpu.memory_space<vmem>>)
      %dma_wait3A_269 = arith.constant 64 : i32
      %dma_wait3A_270 = arith.constant 0 : i32
      %dma_wait3A_271 = tpu.memref_slice %arg10[%dma_wait3A_269, %dma_wait3A_270] : memref<128x128xf32, #tpu.memory_space<vmem>> -> memref<64x128xf32, #tpu.memory_space<vmem>>
      %dma_wait3A_272 = arith.constant 64 : i32
      %dma_wait3A_273 = tpu.memref_slice %arg7[%add3A_259, %dma_wait3A_272] : memref<40x128xi32, #tpu.memory_space<vmem>> -> memref<1x64xi32, #tpu.memory_space<vmem>>
      %dma_wait3A_274 = tpu.memref_squeeze %dma_wait3A_273 : memref<1x64xi32, #tpu.memory_space<vmem>> -> memref<64xi32, #tpu.memory_space<vmem>>
      %dma_wait3A_275 = arith.constant 0 : i32
      %dma_wait3A_276 = arith.constant 0 : i32
      %dma_wait3A_277 = tpu.memref_slice %arg2[%dma_wait3A_275, %dma_wait3A_276] : memref<10000x128xf32, #tpu.memory_space<hbm>> -> memref<10000x128xf32, #tpu.memory_space<hbm>>
      tpu.wait_indirect_dma semaphore(%arg15 : memref<!tpu.dma_semaphore, #tpu.memory_space<semaphore_mem>>) src(%dma_wait3A_277 : memref<10000x128xf32, #tpu.memory_space<hbm>>) dst(%dma_wait3A_271 : memref<64x128xf32, #tpu.memory_space<vmem>>)
      "tpu.region"() ({
        %run_scoped3A = tpu.sem_alloc : memref<!tpu.dma_semaphore, #tpu.memory_space<semaphore_mem>>
        %dma_start3A_283 = arith.constant 0 : i32
        %dma_start3A_284 = tpu.memref_slice %arg8[%add3A_259, %dma_start3A_283] : memref<40x128xi32, #tpu.memory_space<vmem>> -> memref<1x128xi32, #tpu.memory_space<vmem>>
        %dma_start3A_285 = tpu.memref_squeeze %dma_start3A_284 : memref<1x128xi32, #tpu.memory_space<vmem>> -> memref<128xi32, #tpu.memory_space<vmem>>
        %dma_start3A_286 = arith.constant 0 : i32
        %dma_start3A_287 = arith.constant 0 : i32
        %dma_start3A_288 = tpu.memref_slice %arg11[%dma_start3A_286, %dma_start3A_287] : memref<10240x128xf32, #tpu.memory_space<vmem_shared>> -> memref<10240x128xf32, #tpu.memory_space<vmem_shared>>
        tpu.enqueue_indirect_dma source(%arg10 : memref<128x128xf32, #tpu.memory_space<vmem>>) target(%dma_start3A_288 : memref<10240x128xf32, #tpu.memory_space<vmem_shared>>) offsets(%dma_start3A_285 : memref<128xi32, #tpu.memory_space<vmem>>) semaphore(%run_scoped3A : memref<!tpu.dma_semaphore, #tpu.memory_space<semaphore_mem>>) {add = true}
        %dma_wait3A_289 = arith.constant 0 : i32
        %dma_wait3A_290 = tpu.memref_slice %arg8[%add3A_259, %dma_wait3A_289] : memref<40x128xi32, #tpu.memory_space<vmem>> -> memref<1x128xi32, #tpu.memory_space<vmem>>
        %dma_wait3A_291 = tpu.memref_squeeze %dma_wait3A_290 : memref<1x128xi32, #tpu.memory_space<vmem>> -> memref<128xi32, #tpu.memory_space<vmem>>
        %dma_wait3A_292 = arith.constant 0 : i32
        %dma_wait3A_293 = arith.constant 0 : i32
        %dma_wait3A_294 = tpu.memref_slice %arg11[%dma_wait3A_292, %dma_wait3A_293] : memref<10240x128xf32, #tpu.memory_space<vmem_shared>> -> memref<10240x128xf32, #tpu.memory_space<vmem_shared>>
        tpu.wait_indirect_dma semaphore(%run_scoped3A : memref<!tpu.dma_semaphore, #tpu.memory_space<semaphore_mem>>) src(%arg10 : memref<128x128xf32, #tpu.memory_space<vmem>>) dst(%dma_wait3A_294 : memref<10240x128xf32, #tpu.memory_space<vmem_shared>>)
        tpu.yield
      }) : () -> ()
      %lt3A_278 = arith.constant 19 : i32
      %lt3A_279 = arith.cmpi slt, %scan3A_231, %lt3A_278 : i32
      %convert_element_type3A_280 = arith.extui %lt3A_279 : i1 to i32
      %cond3A_281 = arith.constant 0 : i32
      %cond3A_282 = arith.cmpi ne, %convert_element_type3A_280, %cond3A_281 : i32
      scf.if %cond3A_282 {
        %add3A_283 = arith.constant 2 : i32
        %add3A_284 = arith.addi %add3A_259, %add3A_283 : i32
        %dma_start3A_285 = arith.constant 0 : i32
        %dma_start3A_286 = arith.constant 0 : i32
        %dma_start3A_287 = tpu.memref_slice %arg10[%dma_start3A_285, %dma_start3A_286] : memref<128x128xf32, #tpu.memory_space<vmem>> -> memref<64x128xf32, #tpu.memory_space<vmem>>
        %dma_start3A_288 = arith.constant 0 : i32
        %dma_start3A_289 = tpu.memref_slice %arg7[%add3A_284, %dma_start3A_288] : memref<40x128xi32, #tpu.memory_space<vmem>> -> memref<1x64xi32, #tpu.memory_space<vmem>>
        %dma_start3A_290 = tpu.memref_squeeze %dma_start3A_289 : memref<1x64xi32, #tpu.memory_space<vmem>> -> memref<64xi32, #tpu.memory_space<vmem>>
        %dma_start3A_291 = arith.constant 0 : i32
        %dma_start3A_292 = arith.constant 0 : i32
        %dma_start3A_293 = tpu.memref_slice %arg2[%dma_start3A_291, %dma_start3A_292] : memref<10000x128xf32, #tpu.memory_space<hbm>> -> memref<10000x128xf32, #tpu.memory_space<hbm>>
        tpu.enqueue_indirect_dma source(%dma_start3A_293 : memref<10000x128xf32, #tpu.memory_space<hbm>>) target(%dma_start3A_287 : memref<64x128xf32, #tpu.memory_space<vmem>>) offsets(%dma_start3A_290 : memref<64xi32, #tpu.memory_space<vmem>>) semaphore(%arg14 : memref<!tpu.dma_semaphore, #tpu.memory_space<semaphore_mem>>)
        %dma_start3A_294 = arith.constant 64 : i32
        %dma_start3A_295 = arith.constant 0 : i32
        %dma_start3A_296 = tpu.memref_slice %arg10[%dma_start3A_294, %dma_start3A_295] : memref<128x128xf32, #tpu.memory_space<vmem>> -> memref<64x128xf32, #tpu.memory_space<vmem>>
        %dma_start3A_297 = arith.constant 64 : i32
        %dma_start3A_298 = tpu.memref_slice %arg7[%add3A_284, %dma_start3A_297] : memref<40x128xi32, #tpu.memory_space<vmem>> -> memref<1x64xi32, #tpu.memory_space<vmem>>
        %dma_start3A_299 = tpu.memref_squeeze %dma_start3A_298 : memref<1x64xi32, #tpu.memory_space<vmem>> -> memref<64xi32, #tpu.memory_space<vmem>>
        %dma_start3A_300 = arith.constant 0 : i32
        %dma_start3A_301 = arith.constant 0 : i32
        %dma_start3A_302 = tpu.memref_slice %arg2[%dma_start3A_300, %dma_start3A_301] : memref<10000x128xf32, #tpu.memory_space<hbm>> -> memref<10000x128xf32, #tpu.memory_space<hbm>>
        tpu.enqueue_indirect_dma source(%dma_start3A_302 : memref<10000x128xf32, #tpu.memory_space<hbm>>) target(%dma_start3A_296 : memref<64x128xf32, #tpu.memory_space<vmem>>) offsets(%dma_start3A_299 : memref<64xi32, #tpu.memory_space<vmem>>) semaphore(%arg15 : memref<!tpu.dma_semaphore, #tpu.memory_space<semaphore_mem>>)
      } else {
      }
    }
    %scan3A_64 = arith.constant 20 : i32
    "tpu.trace_stop"() : () -> ()
    "tpu.trace_start"() <{level = 10 : i32, message = "mainloop1"}> : () -> ()
    "tpu.region"() ({
      %run_scoped3A = tpu.sem_alloc : memref<!tpu.dma_semaphore, #tpu.memory_space<semaphore_mem>>
      %dma_start3A_231 = arith.constant 40 : i32
      %dma_start3A_232 = arith.constant 0 : i32
      %dma_start3A_233 = tpu.memref_slice %arg3[%add3A, %dma_start3A_231, %dma_start3A_232] : memref<32x80x128xi32, #tpu.memory_space<hbm>> -> memref<1x40x128xi32, #tpu.memory_space<hbm>>
      %dma_start3A_234 = tpu.memref_squeeze %dma_start3A_233 : memref<1x40x128xi32, #tpu.memory_space<hbm>> -> memref<40x128xi32, #tpu.memory_space<hbm>>
      %dma_start3A_235 = arith.constant 40 : i32
      %dma_start3A_236 = arith.constant 0 : i32
      %dma_start3A_237 = tpu.memref_slice %arg3[%add3A, %dma_start3A_235, %dma_start3A_236] : memref<32x80x128xi32, #tpu.memory_space<hbm>> -> memref<1x40x128xi32, #tpu.memory_space<hbm>>
      %dma_start3A_238 = tpu.memref_squeeze %dma_start3A_237 : memref<1x40x128xi32, #tpu.memory_space<hbm>> -> memref<40x128xi32, #tpu.memory_space<hbm>>
      tpu.enqueue_dma source(%dma_start3A_238 : memref<40x128xi32, #tpu.memory_space<hbm>>) target(%arg7 : memref<40x128xi32, #tpu.memory_space<vmem>>) target_semaphore(%run_scoped3A : memref<!tpu.dma_semaphore, #tpu.memory_space<semaphore_mem>>)
      %dma_wait3A_239 = arith.constant 40 : i32
      %dma_wait3A_240 = arith.constant 0 : i32
      %dma_wait3A_241 = tpu.memref_slice %arg3[%add3A, %dma_wait3A_239, %dma_wait3A_240] : memref<32x80x128xi32, #tpu.memory_space<hbm>> -> memref<1x40x128xi32, #tpu.memory_space<hbm>>
      %dma_wait3A_242 = tpu.memref_squeeze %dma_wait3A_241 : memref<1x40x128xi32, #tpu.memory_space<hbm>> -> memref<40x128xi32, #tpu.memory_space<hbm>>
      %dma_wait3A_243 = arith.constant 40 : i32
      %dma_wait3A_244 = arith.constant 0 : i32
      %dma_wait3A_245 = tpu.memref_slice %arg3[%add3A, %dma_wait3A_243, %dma_wait3A_244] : memref<32x80x128xi32, #tpu.memory_space<hbm>> -> memref<1x40x128xi32, #tpu.memory_space<hbm>>
      %dma_wait3A_246 = tpu.memref_squeeze %dma_wait3A_245 : memref<1x40x128xi32, #tpu.memory_space<hbm>> -> memref<40x128xi32, #tpu.memory_space<hbm>>
      tpu.wait_dma2 semaphore(%run_scoped3A : memref<!tpu.dma_semaphore, #tpu.memory_space<semaphore_mem>>) src(%dma_wait3A_246 : memref<40x128xi32, #tpu.memory_space<hbm>>) dst(%arg7 : memref<40x128xi32, #tpu.memory_space<vmem>>)
      tpu.yield
    }) : () -> ()
    "tpu.region"() ({
      %run_scoped3A = tpu.sem_alloc : memref<!tpu.dma_semaphore, #tpu.memory_space<semaphore_mem>>
      %dma_start3A_231 = arith.constant 40 : i32
      %dma_start3A_232 = arith.constant 0 : i32
      %dma_start3A_233 = tpu.memref_slice %arg4[%add3A, %dma_start3A_231, %dma_start3A_232] : memref<32x80x128xi32, #tpu.memory_space<hbm>> -> memref<1x40x128xi32, #tpu.memory_space<hbm>>
      %dma_start3A_234 = tpu.memref_squeeze %dma_start3A_233 : memref<1x40x128xi32, #tpu.memory_space<hbm>> -> memref<40x128xi32, #tpu.memory_space<hbm>>
      %dma_start3A_235 = arith.constant 40 : i32
      %dma_start3A_236 = arith.constant 0 : i32
      %dma_start3A_237 = tpu.memref_slice %arg4[%add3A, %dma_start3A_235, %dma_start3A_236] : memref<32x80x128xi32, #tpu.memory_space<hbm>> -> memref<1x40x128xi32, #tpu.memory_space<hbm>>
      %dma_start3A_238 = tpu.memref_squeeze %dma_start3A_237 : memref<1x40x128xi32, #tpu.memory_space<hbm>> -> memref<40x128xi32, #tpu.memory_space<hbm>>
      tpu.enqueue_dma source(%dma_start3A_238 : memref<40x128xi32, #tpu.memory_space<hbm>>) target(%arg8 : memref<40x128xi32, #tpu.memory_space<vmem>>) target_semaphore(%run_scoped3A : memref<!tpu.dma_semaphore, #tpu.memory_space<semaphore_mem>>)
      %dma_wait3A_239 = arith.constant 40 : i32
      %dma_wait3A_240 = arith.constant 0 : i32
      %dma_wait3A_241 = tpu.memref_slice %arg4[%add3A, %dma_wait3A_239, %dma_wait3A_240] : memref<32x80x128xi32, #tpu.memory_space<hbm>> -> memref<1x40x128xi32, #tpu.memory_space<hbm>>
      %dma_wait3A_242 = tpu.memref_squeeze %dma_wait3A_241 : memref<1x40x128xi32, #tpu.memory_space<hbm>> -> memref<40x128xi32, #tpu.memory_space<hbm>>
      %dma_wait3A_243 = arith.constant 40 : i32
      %dma_wait3A_244 = arith.constant 0 : i32
      %dma_wait3A_245 = tpu.memref_slice %arg4[%add3A, %dma_wait3A_243, %dma_wait3A_244] : memref<32x80x128xi32, #tpu.memory_space<hbm>> -> memref<1x40x128xi32, #tpu.memory_space<hbm>>
      %dma_wait3A_246 = tpu.memref_squeeze %dma_wait3A_245 : memref<1x40x128xi32, #tpu.memory_space<hbm>> -> memref<40x128xi32, #tpu.memory_space<hbm>>
      tpu.wait_dma2 semaphore(%run_scoped3A : memref<!tpu.dma_semaphore, #tpu.memory_space<semaphore_mem>>) src(%dma_wait3A_246 : memref<40x128xi32, #tpu.memory_space<hbm>>) dst(%arg8 : memref<40x128xi32, #tpu.memory_space<vmem>>)
      tpu.yield
    }) : () -> ()
    %dma_start3A_65 = arith.constant 0 : i32
    %dma_start3A_66 = arith.constant 0 : i32
    %dma_start3A_67 = arith.constant 0 : i32
    %dma_start3A_68 = tpu.memref_slice %arg9[%dma_start3A_66, %dma_start3A_67] : memref<128x128xf32, #tpu.memory_space<vmem>> -> memref<64x128xf32, #tpu.memory_space<vmem>>
    %dma_start3A_69 = arith.constant 0 : i32
    %dma_start3A_70 = tpu.memref_slice %arg7[%dma_start3A_65, %dma_start3A_69] : memref<40x128xi32, #tpu.memory_space<vmem>> -> memref<1x64xi32, #tpu.memory_space<vmem>>
    %dma_start3A_71 = tpu.memref_squeeze %dma_start3A_70 : memref<1x64xi32, #tpu.memory_space<vmem>> -> memref<64xi32, #tpu.memory_space<vmem>>
    %dma_start3A_72 = arith.constant 0 : i32
    %dma_start3A_73 = arith.constant 0 : i32
    %dma_start3A_74 = tpu.memref_slice %arg2[%dma_start3A_72, %dma_start3A_73] : memref<10000x128xf32, #tpu.memory_space<hbm>> -> memref<10000x128xf32, #tpu.memory_space<hbm>>
    tpu.enqueue_indirect_dma source(%dma_start3A_74 : memref<10000x128xf32, #tpu.memory_space<hbm>>) target(%dma_start3A_68 : memref<64x128xf32, #tpu.memory_space<vmem>>) offsets(%dma_start3A_71 : memref<64xi32, #tpu.memory_space<vmem>>) semaphore(%arg12 : memref<!tpu.dma_semaphore, #tpu.memory_space<semaphore_mem>>)
    %dma_start3A_75 = arith.constant 0 : i32
    %dma_start3A_76 = arith.constant 64 : i32
    %dma_start3A_77 = arith.constant 0 : i32
    %dma_start3A_78 = tpu.memref_slice %arg9[%dma_start3A_76, %dma_start3A_77] : memref<128x128xf32, #tpu.memory_space<vmem>> -> memref<64x128xf32, #tpu.memory_space<vmem>>
    %dma_start3A_79 = arith.constant 64 : i32
    %dma_start3A_80 = tpu.memref_slice %arg7[%dma_start3A_75, %dma_start3A_79] : memref<40x128xi32, #tpu.memory_space<vmem>> -> memref<1x64xi32, #tpu.memory_space<vmem>>
    %dma_start3A_81 = tpu.memref_squeeze %dma_start3A_80 : memref<1x64xi32, #tpu.memory_space<vmem>> -> memref<64xi32, #tpu.memory_space<vmem>>
    %dma_start3A_82 = arith.constant 0 : i32
    %dma_start3A_83 = arith.constant 0 : i32
    %dma_start3A_84 = tpu.memref_slice %arg2[%dma_start3A_82, %dma_start3A_83] : memref<10000x128xf32, #tpu.memory_space<hbm>> -> memref<10000x128xf32, #tpu.memory_space<hbm>>
    tpu.enqueue_indirect_dma source(%dma_start3A_84 : memref<10000x128xf32, #tpu.memory_space<hbm>>) target(%dma_start3A_78 : memref<64x128xf32, #tpu.memory_space<vmem>>) offsets(%dma_start3A_81 : memref<64xi32, #tpu.memory_space<vmem>>) semaphore(%arg13 : memref<!tpu.dma_semaphore, #tpu.memory_space<semaphore_mem>>)
    %dma_start3A_85 = arith.constant 1 : i32
    %dma_start3A_86 = arith.constant 0 : i32
    %dma_start3A_87 = arith.constant 0 : i32
    %dma_start3A_88 = tpu.memref_slice %arg10[%dma_start3A_86, %dma_start3A_87] : memref<128x128xf32, #tpu.memory_space<vmem>> -> memref<64x128xf32, #tpu.memory_space<vmem>>
    %dma_start3A_89 = arith.constant 0 : i32
    %dma_start3A_90 = tpu.memref_slice %arg7[%dma_start3A_85, %dma_start3A_89] : memref<40x128xi32, #tpu.memory_space<vmem>> -> memref<1x64xi32, #tpu.memory_space<vmem>>
    %dma_start3A_91 = tpu.memref_squeeze %dma_start3A_90 : memref<1x64xi32, #tpu.memory_space<vmem>> -> memref<64xi32, #tpu.memory_space<vmem>>
    %dma_start3A_92 = arith.constant 0 : i32
    %dma_start3A_93 = arith.constant 0 : i32
    %dma_start3A_94 = tpu.memref_slice %arg2[%dma_start3A_92, %dma_start3A_93] : memref<10000x128xf32, #tpu.memory_space<hbm>> -> memref<10000x128xf32, #tpu.memory_space<hbm>>
    tpu.enqueue_indirect_dma source(%dma_start3A_94 : memref<10000x128xf32, #tpu.memory_space<hbm>>) target(%dma_start3A_88 : memref<64x128xf32, #tpu.memory_space<vmem>>) offsets(%dma_start3A_91 : memref<64xi32, #tpu.memory_space<vmem>>) semaphore(%arg14 : memref<!tpu.dma_semaphore, #tpu.memory_space<semaphore_mem>>)
    %dma_start3A_95 = arith.constant 1 : i32
    %dma_start3A_96 = arith.constant 64 : i32
    %dma_start3A_97 = arith.constant 0 : i32
    %dma_start3A_98 = tpu.memref_slice %arg10[%dma_start3A_96, %dma_start3A_97] : memref<128x128xf32, #tpu.memory_space<vmem>> -> memref<64x128xf32, #tpu.memory_space<vmem>>
    %dma_start3A_99 = arith.constant 64 : i32
    %dma_start3A_100 = tpu.memref_slice %arg7[%dma_start3A_95, %dma_start3A_99] : memref<40x128xi32, #tpu.memory_space<vmem>> -> memref<1x64xi32, #tpu.memory_space<vmem>>
    %dma_start3A_101 = tpu.memref_squeeze %dma_start3A_100 : memref<1x64xi32, #tpu.memory_space<vmem>> -> memref<64xi32, #tpu.memory_space<vmem>>
    %dma_start3A_102 = arith.constant 0 : i32
    %dma_start3A_103 = arith.constant 0 : i32
    %dma_start3A_104 = tpu.memref_slice %arg2[%dma_start3A_102, %dma_start3A_103] : memref<10000x128xf32, #tpu.memory_space<hbm>> -> memref<10000x128xf32, #tpu.memory_space<hbm>>
    tpu.enqueue_indirect_dma source(%dma_start3A_104 : memref<10000x128xf32, #tpu.memory_space<hbm>>) target(%dma_start3A_98 : memref<64x128xf32, #tpu.memory_space<vmem>>) offsets(%dma_start3A_101 : memref<64xi32, #tpu.memory_space<vmem>>) semaphore(%arg15 : memref<!tpu.dma_semaphore, #tpu.memory_space<semaphore_mem>>)
    %scan3A_105 = arith.constant 0 : i32
    %scan3A_106 = arith.constant 0 : i32
    %scan3A_107 = arith.constant 20 : i32
    %scan3A_108 = arith.addi %scan3A_106, %scan3A_107 : i32
    %scan3A_109 = arith.constant 1 : i32
    scf.for %scan3A_231 = %scan3A_106 to %scan3A_108 step %scan3A_109  : i32 {
      %mul3A_232 = arith.constant 2 : i32
      %mul3A_233 = arith.muli %scan3A_231, %mul3A_232 : i32
      %add3A_234 = arith.constant 0 : i32
      %add3A_235 = arith.addi %mul3A_233, %add3A_234 : i32
      %dma_wait3A_236 = arith.constant 0 : i32
      %dma_wait3A_237 = arith.constant 0 : i32
      %dma_wait3A_238 = tpu.memref_slice %arg9[%dma_wait3A_236, %dma_wait3A_237] : memref<128x128xf32, #tpu.memory_space<vmem>> -> memref<64x128xf32, #tpu.memory_space<vmem>>
      %dma_wait3A_239 = arith.constant 0 : i32
      %dma_wait3A_240 = tpu.memref_slice %arg7[%add3A_235, %dma_wait3A_239] : memref<40x128xi32, #tpu.memory_space<vmem>> -> memref<1x64xi32, #tpu.memory_space<vmem>>
      %dma_wait3A_241 = tpu.memref_squeeze %dma_wait3A_240 : memref<1x64xi32, #tpu.memory_space<vmem>> -> memref<64xi32, #tpu.memory_space<vmem>>
      %dma_wait3A_242 = arith.constant 0 : i32
      %dma_wait3A_243 = arith.constant 0 : i32
      %dma_wait3A_244 = tpu.memref_slice %arg2[%dma_wait3A_242, %dma_wait3A_243] : memref<10000x128xf32, #tpu.memory_space<hbm>> -> memref<10000x128xf32, #tpu.memory_space<hbm>>
      tpu.wait_indirect_dma semaphore(%arg12 : memref<!tpu.dma_semaphore, #tpu.memory_space<semaphore_mem>>) src(%dma_wait3A_244 : memref<10000x128xf32, #tpu.memory_space<hbm>>) dst(%dma_wait3A_238 : memref<64x128xf32, #tpu.memory_space<vmem>>)
      %dma_wait3A_245 = arith.constant 64 : i32
      %dma_wait3A_246 = arith.constant 0 : i32
      %dma_wait3A_247 = tpu.memref_slice %arg9[%dma_wait3A_245, %dma_wait3A_246] : memref<128x128xf32, #tpu.memory_space<vmem>> -> memref<64x128xf32, #tpu.memory_space<vmem>>
      %dma_wait3A_248 = arith.constant 64 : i32
      %dma_wait3A_249 = tpu.memref_slice %arg7[%add3A_235, %dma_wait3A_248] : memref<40x128xi32, #tpu.memory_space<vmem>> -> memref<1x64xi32, #tpu.memory_space<vmem>>
      %dma_wait3A_250 = tpu.memref_squeeze %dma_wait3A_249 : memref<1x64xi32, #tpu.memory_space<vmem>> -> memref<64xi32, #tpu.memory_space<vmem>>
      %dma_wait3A_251 = arith.constant 0 : i32
      %dma_wait3A_252 = arith.constant 0 : i32
      %dma_wait3A_253 = tpu.memref_slice %arg2[%dma_wait3A_251, %dma_wait3A_252] : memref<10000x128xf32, #tpu.memory_space<hbm>> -> memref<10000x128xf32, #tpu.memory_space<hbm>>
      tpu.wait_indirect_dma semaphore(%arg13 : memref<!tpu.dma_semaphore, #tpu.memory_space<semaphore_mem>>) src(%dma_wait3A_253 : memref<10000x128xf32, #tpu.memory_space<hbm>>) dst(%dma_wait3A_247 : memref<64x128xf32, #tpu.memory_space<vmem>>)
      "tpu.region"() ({
        %run_scoped3A = tpu.sem_alloc : memref<!tpu.dma_semaphore, #tpu.memory_space<semaphore_mem>>
        %dma_start3A_283 = arith.constant 0 : i32
        %dma_start3A_284 = tpu.memref_slice %arg8[%add3A_235, %dma_start3A_283] : memref<40x128xi32, #tpu.memory_space<vmem>> -> memref<1x128xi32, #tpu.memory_space<vmem>>
        %dma_start3A_285 = tpu.memref_squeeze %dma_start3A_284 : memref<1x128xi32, #tpu.memory_space<vmem>> -> memref<128xi32, #tpu.memory_space<vmem>>
        %dma_start3A_286 = arith.constant 0 : i32
        %dma_start3A_287 = arith.constant 0 : i32
        %dma_start3A_288 = tpu.memref_slice %arg11[%dma_start3A_286, %dma_start3A_287] : memref<10240x128xf32, #tpu.memory_space<vmem_shared>> -> memref<10240x128xf32, #tpu.memory_space<vmem_shared>>
        tpu.enqueue_indirect_dma source(%arg9 : memref<128x128xf32, #tpu.memory_space<vmem>>) target(%dma_start3A_288 : memref<10240x128xf32, #tpu.memory_space<vmem_shared>>) offsets(%dma_start3A_285 : memref<128xi32, #tpu.memory_space<vmem>>) semaphore(%run_scoped3A : memref<!tpu.dma_semaphore, #tpu.memory_space<semaphore_mem>>) {add = true}
        %dma_wait3A_289 = arith.constant 0 : i32
        %dma_wait3A_290 = tpu.memref_slice %arg8[%add3A_235, %dma_wait3A_289] : memref<40x128xi32, #tpu.memory_space<vmem>> -> memref<1x128xi32, #tpu.memory_space<vmem>>
        %dma_wait3A_291 = tpu.memref_squeeze %dma_wait3A_290 : memref<1x128xi32, #tpu.memory_space<vmem>> -> memref<128xi32, #tpu.memory_space<vmem>>
        %dma_wait3A_292 = arith.constant 0 : i32
        %dma_wait3A_293 = arith.constant 0 : i32
        %dma_wait3A_294 = tpu.memref_slice %arg11[%dma_wait3A_292, %dma_wait3A_293] : memref<10240x128xf32, #tpu.memory_space<vmem_shared>> -> memref<10240x128xf32, #tpu.memory_space<vmem_shared>>
        tpu.wait_indirect_dma semaphore(%run_scoped3A : memref<!tpu.dma_semaphore, #tpu.memory_space<semaphore_mem>>) src(%arg9 : memref<128x128xf32, #tpu.memory_space<vmem>>) dst(%dma_wait3A_294 : memref<10240x128xf32, #tpu.memory_space<vmem_shared>>)
        tpu.yield
      }) : () -> ()
      %lt3A = arith.constant 19 : i32
      %lt3A_254 = arith.cmpi slt, %scan3A_231, %lt3A : i32
      %convert_element_type3A = arith.extui %lt3A_254 : i1 to i32
      %cond3A = arith.constant 0 : i32
      %cond3A_255 = arith.cmpi ne, %convert_element_type3A, %cond3A : i32
      scf.if %cond3A_255 {
        %add3A_283 = arith.constant 2 : i32
        %add3A_284 = arith.addi %add3A_235, %add3A_283 : i32
        %dma_start3A_285 = arith.constant 0 : i32
        %dma_start3A_286 = arith.constant 0 : i32
        %dma_start3A_287 = tpu.memref_slice %arg9[%dma_start3A_285, %dma_start3A_286] : memref<128x128xf32, #tpu.memory_space<vmem>> -> memref<64x128xf32, #tpu.memory_space<vmem>>
        %dma_start3A_288 = arith.constant 0 : i32
        %dma_start3A_289 = tpu.memref_slice %arg7[%add3A_284, %dma_start3A_288] : memref<40x128xi32, #tpu.memory_space<vmem>> -> memref<1x64xi32, #tpu.memory_space<vmem>>
        %dma_start3A_290 = tpu.memref_squeeze %dma_start3A_289 : memref<1x64xi32, #tpu.memory_space<vmem>> -> memref<64xi32, #tpu.memory_space<vmem>>
        %dma_start3A_291 = arith.constant 0 : i32
        %dma_start3A_292 = arith.constant 0 : i32
        %dma_start3A_293 = tpu.memref_slice %arg2[%dma_start3A_291, %dma_start3A_292] : memref<10000x128xf32, #tpu.memory_space<hbm>> -> memref<10000x128xf32, #tpu.memory_space<hbm>>
        tpu.enqueue_indirect_dma source(%dma_start3A_293 : memref<10000x128xf32, #tpu.memory_space<hbm>>) target(%dma_start3A_287 : memref<64x128xf32, #tpu.memory_space<vmem>>) offsets(%dma_start3A_290 : memref<64xi32, #tpu.memory_space<vmem>>) semaphore(%arg12 : memref<!tpu.dma_semaphore, #tpu.memory_space<semaphore_mem>>)
        %dma_start3A_294 = arith.constant 64 : i32
        %dma_start3A_295 = arith.constant 0 : i32
        %dma_start3A_296 = tpu.memref_slice %arg9[%dma_start3A_294, %dma_start3A_295] : memref<128x128xf32, #tpu.memory_space<vmem>> -> memref<64x128xf32, #tpu.memory_space<vmem>>
        %dma_start3A_297 = arith.constant 64 : i32
        %dma_start3A_298 = tpu.memref_slice %arg7[%add3A_284, %dma_start3A_297] : memref<40x128xi32, #tpu.memory_space<vmem>> -> memref<1x64xi32, #tpu.memory_space<vmem>>
        %dma_start3A_299 = tpu.memref_squeeze %dma_start3A_298 : memref<1x64xi32, #tpu.memory_space<vmem>> -> memref<64xi32, #tpu.memory_space<vmem>>
        %dma_start3A_300 = arith.constant 0 : i32
        %dma_start3A_301 = arith.constant 0 : i32
        %dma_start3A_302 = tpu.memref_slice %arg2[%dma_start3A_300, %dma_start3A_301] : memref<10000x128xf32, #tpu.memory_space<hbm>> -> memref<10000x128xf32, #tpu.memory_space<hbm>>
        tpu.enqueue_indirect_dma source(%dma_start3A_302 : memref<10000x128xf32, #tpu.memory_space<hbm>>) target(%dma_start3A_296 : memref<64x128xf32, #tpu.memory_space<vmem>>) offsets(%dma_start3A_299 : memref<64xi32, #tpu.memory_space<vmem>>) semaphore(%arg13 : memref<!tpu.dma_semaphore, #tpu.memory_space<semaphore_mem>>)
      } else {
      }
      %mul3A_256 = arith.constant 2 : i32
      %mul3A_257 = arith.muli %scan3A_231, %mul3A_256 : i32
      %add3A_258 = arith.constant 1 : i32
      %add3A_259 = arith.addi %mul3A_257, %add3A_258 : i32
      %dma_wait3A_260 = arith.constant 0 : i32
      %dma_wait3A_261 = arith.constant 0 : i32
      %dma_wait3A_262 = tpu.memref_slice %arg10[%dma_wait3A_260, %dma_wait3A_261] : memref<128x128xf32, #tpu.memory_space<vmem>> -> memref<64x128xf32, #tpu.memory_space<vmem>>
      %dma_wait3A_263 = arith.constant 0 : i32
      %dma_wait3A_264 = tpu.memref_slice %arg7[%add3A_259, %dma_wait3A_263] : memref<40x128xi32, #tpu.memory_space<vmem>> -> memref<1x64xi32, #tpu.memory_space<vmem>>
      %dma_wait3A_265 = tpu.memref_squeeze %dma_wait3A_264 : memref<1x64xi32, #tpu.memory_space<vmem>> -> memref<64xi32, #tpu.memory_space<vmem>>
      %dma_wait3A_266 = arith.constant 0 : i32
      %dma_wait3A_267 = arith.constant 0 : i32
      %dma_wait3A_268 = tpu.memref_slice %arg2[%dma_wait3A_266, %dma_wait3A_267] : memref<10000x128xf32, #tpu.memory_space<hbm>> -> memref<10000x128xf32, #tpu.memory_space<hbm>>
      tpu.wait_indirect_dma semaphore(%arg14 : memref<!tpu.dma_semaphore, #tpu.memory_space<semaphore_mem>>) src(%dma_wait3A_268 : memref<10000x128xf32, #tpu.memory_space<hbm>>) dst(%dma_wait3A_262 : memref<64x128xf32, #tpu.memory_space<vmem>>)
      %dma_wait3A_269 = arith.constant 64 : i32
      %dma_wait3A_270 = arith.constant 0 : i32
      %dma_wait3A_271 = tpu.memref_slice %arg10[%dma_wait3A_269, %dma_wait3A_270] : memref<128x128xf32, #tpu.memory_space<vmem>> -> memref<64x128xf32, #tpu.memory_space<vmem>>
      %dma_wait3A_272 = arith.constant 64 : i32
      %dma_wait3A_273 = tpu.memref_slice %arg7[%add3A_259, %dma_wait3A_272] : memref<40x128xi32, #tpu.memory_space<vmem>> -> memref<1x64xi32, #tpu.memory_space<vmem>>
      %dma_wait3A_274 = tpu.memref_squeeze %dma_wait3A_273 : memref<1x64xi32, #tpu.memory_space<vmem>> -> memref<64xi32, #tpu.memory_space<vmem>>
      %dma_wait3A_275 = arith.constant 0 : i32
      %dma_wait3A_276 = arith.constant 0 : i32
      %dma_wait3A_277 = tpu.memref_slice %arg2[%dma_wait3A_275, %dma_wait3A_276] : memref<10000x128xf32, #tpu.memory_space<hbm>> -> memref<10000x128xf32, #tpu.memory_space<hbm>>
      tpu.wait_indirect_dma semaphore(%arg15 : memref<!tpu.dma_semaphore, #tpu.memory_space<semaphore_mem>>) src(%dma_wait3A_277 : memref<10000x128xf32, #tpu.memory_space<hbm>>) dst(%dma_wait3A_271 : memref<64x128xf32, #tpu.memory_space<vmem>>)
      "tpu.region"() ({
        %run_scoped3A = tpu.sem_alloc : memref<!tpu.dma_semaphore, #tpu.memory_space<semaphore_mem>>
        %dma_start3A_283 = arith.constant 0 : i32
        %dma_start3A_284 = tpu.memref_slice %arg8[%add3A_259, %dma_start3A_283] : memref<40x128xi32, #tpu.memory_space<vmem>> -> memref<1x128xi32, #tpu.memory_space<vmem>>
        %dma_start3A_285 = tpu.memref_squeeze %dma_start3A_284 : memref<1x128xi32, #tpu.memory_space<vmem>> -> memref<128xi32, #tpu.memory_space<vmem>>
        %dma_start3A_286 = arith.constant 0 : i32
        %dma_start3A_287 = arith.constant 0 : i32
        %dma_start3A_288 = tpu.memref_slice %arg11[%dma_start3A_286, %dma_start3A_287] : memref<10240x128xf32, #tpu.memory_space<vmem_shared>> -> memref<10240x128xf32, #tpu.memory_space<vmem_shared>>
        tpu.enqueue_indirect_dma source(%arg10 : memref<128x128xf32, #tpu.memory_space<vmem>>) target(%dma_start3A_288 : memref<10240x128xf32, #tpu.memory_space<vmem_shared>>) offsets(%dma_start3A_285 : memref<128xi32, #tpu.memory_space<vmem>>) semaphore(%run_scoped3A : memref<!tpu.dma_semaphore, #tpu.memory_space<semaphore_mem>>) {add = true}
        %dma_wait3A_289 = arith.constant 0 : i32
        %dma_wait3A_290 = tpu.memref_slice %arg8[%add3A_259, %dma_wait3A_289] : memref<40x128xi32, #tpu.memory_space<vmem>> -> memref<1x128xi32, #tpu.memory_space<vmem>>
        %dma_wait3A_291 = tpu.memref_squeeze %dma_wait3A_290 : memref<1x128xi32, #tpu.memory_space<vmem>> -> memref<128xi32, #tpu.memory_space<vmem>>
        %dma_wait3A_292 = arith.constant 0 : i32
        %dma_wait3A_293 = arith.constant 0 : i32
        %dma_wait3A_294 = tpu.memref_slice %arg11[%dma_wait3A_292, %dma_wait3A_293] : memref<10240x128xf32, #tpu.memory_space<vmem_shared>> -> memref<10240x128xf32, #tpu.memory_space<vmem_shared>>
        tpu.wait_indirect_dma semaphore(%run_scoped3A : memref<!tpu.dma_semaphore, #tpu.memory_space<semaphore_mem>>) src(%arg10 : memref<128x128xf32, #tpu.memory_space<vmem>>) dst(%dma_wait3A_294 : memref<10240x128xf32, #tpu.memory_space<vmem_shared>>)
        tpu.yield
      }) : () -> ()
      %lt3A_278 = arith.constant 19 : i32
      %lt3A_279 = arith.cmpi slt, %scan3A_231, %lt3A_278 : i32
      %convert_element_type3A_280 = arith.extui %lt3A_279 : i1 to i32
      %cond3A_281 = arith.constant 0 : i32
      %cond3A_282 = arith.cmpi ne, %convert_element_type3A_280, %cond3A_281 : i32
      scf.if %cond3A_282 {
        %add3A_283 = arith.constant 2 : i32
        %add3A_284 = arith.addi %add3A_259, %add3A_283 : i32
        %dma_start3A_285 = arith.constant 0 : i32
        %dma_start3A_286 = arith.constant 0 : i32
        %dma_start3A_287 = tpu.memref_slice %arg10[%dma_start3A_285, %dma_start3A_286] : memref<128x128xf32, #tpu.memory_space<vmem>> -> memref<64x128xf32, #tpu.memory_space<vmem>>
        %dma_start3A_288 = arith.constant 0 : i32
        %dma_start3A_289 = tpu.memref_slice %arg7[%add3A_284, %dma_start3A_288] : memref<40x128xi32, #tpu.memory_space<vmem>> -> memref<1x64xi32, #tpu.memory_space<vmem>>
        %dma_start3A_290 = tpu.memref_squeeze %dma_start3A_289 : memref<1x64xi32, #tpu.memory_space<vmem>> -> memref<64xi32, #tpu.memory_space<vmem>>
        %dma_start3A_291 = arith.constant 0 : i32
        %dma_start3A_292 = arith.constant 0 : i32
        %dma_start3A_293 = tpu.memref_slice %arg2[%dma_start3A_291, %dma_start3A_292] : memref<10000x128xf32, #tpu.memory_space<hbm>> -> memref<10000x128xf32, #tpu.memory_space<hbm>>
        tpu.enqueue_indirect_dma source(%dma_start3A_293 : memref<10000x128xf32, #tpu.memory_space<hbm>>) target(%dma_start3A_287 : memref<64x128xf32, #tpu.memory_space<vmem>>) offsets(%dma_start3A_290 : memref<64xi32, #tpu.memory_space<vmem>>) semaphore(%arg14 : memref<!tpu.dma_semaphore, #tpu.memory_space<semaphore_mem>>)
        %dma_start3A_294 = arith.constant 64 : i32
        %dma_start3A_295 = arith.constant 0 : i32
        %dma_start3A_296 = tpu.memref_slice %arg10[%dma_start3A_294, %dma_start3A_295] : memref<128x128xf32, #tpu.memory_space<vmem>> -> memref<64x128xf32, #tpu.memory_space<vmem>>
        %dma_start3A_297 = arith.constant 64 : i32
        %dma_start3A_298 = tpu.memref_slice %arg7[%add3A_284, %dma_start3A_297] : memref<40x128xi32, #tpu.memory_space<vmem>> -> memref<1x64xi32, #tpu.memory_space<vmem>>
        %dma_start3A_299 = tpu.memref_squeeze %dma_start3A_298 : memref<1x64xi32, #tpu.memory_space<vmem>> -> memref<64xi32, #tpu.memory_space<vmem>>
        %dma_start3A_300 = arith.constant 0 : i32
        %dma_start3A_301 = arith.constant 0 : i32
        %dma_start3A_302 = tpu.memref_slice %arg2[%dma_start3A_300, %dma_start3A_301] : memref<10000x128xf32, #tpu.memory_space<hbm>> -> memref<10000x128xf32, #tpu.memory_space<hbm>>
        tpu.enqueue_indirect_dma source(%dma_start3A_302 : memref<10000x128xf32, #tpu.memory_space<hbm>>) target(%dma_start3A_296 : memref<64x128xf32, #tpu.memory_space<vmem>>) offsets(%dma_start3A_299 : memref<64xi32, #tpu.memory_space<vmem>>) semaphore(%arg15 : memref<!tpu.dma_semaphore, #tpu.memory_space<semaphore_mem>>)
      } else {
      }
    }
    %scan3A_110 = arith.constant 20 : i32
    "tpu.trace_stop"() : () -> ()
    %barrier3A_111 = arith.constant 0 : index
    tpu.barrier barrier_id(%barrier3A_111)
    "tpu.trace_start"() <{level = 10 : i32, message = "copyout"}> : () -> ()
    %mul3A_112 = arith.constant 640 : i32
    %mul3A_113 = arith.muli %arg1, %mul3A_112 : i32
    %add3A_114 = arith.constant 0 : i32
    %add3A_115 = arith.addi %mul3A_113, %add3A_114 : i32
    "tpu.region"() ({
      %run_scoped3A = tpu.sem_alloc : memref<!tpu.dma_semaphore, #tpu.memory_space<semaphore_mem>>
      %dma_start3A_231 = arith.constant 0 : i32
      %dma_start3A_232 = tpu.memref_slice %arg11[%add3A_115, %dma_start3A_231] : memref<10240x128xf32, #tpu.memory_space<vmem_shared>> -> memref<128x128xf32, #tpu.memory_space<vmem_shared>>
      %dma_start3A_233 = arith.constant 0 : i32
      %dma_start3A_234 = tpu.memref_slice %arg11[%add3A_115, %dma_start3A_233] : memref<10240x128xf32, #tpu.memory_space<vmem_shared>> -> memref<128x128xf32, #tpu.memory_space<vmem_shared>>
      tpu.enqueue_dma source(%dma_start3A_234 : memref<128x128xf32, #tpu.memory_space<vmem_shared>>) target(%arg9 : memref<128x128xf32, #tpu.memory_space<vmem>>) target_semaphore(%run_scoped3A : memref<!tpu.dma_semaphore, #tpu.memory_space<semaphore_mem>>)
      %dma_wait3A_235 = arith.constant 0 : i32
      %dma_wait3A_236 = tpu.memref_slice %arg11[%add3A_115, %dma_wait3A_235] : memref<10240x128xf32, #tpu.memory_space<vmem_shared>> -> memref<128x128xf32, #tpu.memory_space<vmem_shared>>
      %dma_wait3A_237 = arith.constant 0 : i32
      %dma_wait3A_238 = tpu.memref_slice %arg11[%add3A_115, %dma_wait3A_237] : memref<10240x128xf32, #tpu.memory_space<vmem_shared>> -> memref<128x128xf32, #tpu.memory_space<vmem_shared>>
      tpu.wait_dma2 semaphore(%run_scoped3A : memref<!tpu.dma_semaphore, #tpu.memory_space<semaphore_mem>>) src(%dma_wait3A_238 : memref<128x128xf32, #tpu.memory_space<vmem_shared>>) dst(%arg9 : memref<128x128xf32, #tpu.memory_space<vmem>>)
      tpu.yield
    }) : () -> ()
    %mul3A_116 = arith.constant 640 : i32
    %mul3A_117 = arith.muli %arg1, %mul3A_116 : i32
    %add3A_118 = arith.constant 0 : i32
    %add3A_119 = arith.addi %mul3A_117, %add3A_118 : i32
    %dma_start3A_120 = arith.constant 0 : i32
    %dma_start3A_121 = tpu.memref_slice %arg6[%arg0, %add3A_119, %dma_start3A_120] : memref<2x10240x128xf32, #tpu.memory_space<hbm>> -> memref<1x128x128xf32, #tpu.memory_space<hbm>>
    %dma_start3A_122 = tpu.memref_squeeze %dma_start3A_121 : memref<1x128x128xf32, #tpu.memory_space<hbm>> -> memref<128x128xf32, #tpu.memory_space<hbm>>
    %dma_start3A_123 = arith.constant 0 : i32
    %dma_start3A_124 = tpu.memref_slice %arg6[%arg0, %add3A_119, %dma_start3A_123] : memref<2x10240x128xf32, #tpu.memory_space<hbm>> -> memref<1x128x128xf32, #tpu.memory_space<hbm>>
    %dma_start3A_125 = tpu.memref_squeeze %dma_start3A_124 : memref<1x128x128xf32, #tpu.memory_space<hbm>> -> memref<128x128xf32, #tpu.memory_space<hbm>>
    tpu.enqueue_dma source(%arg9 : memref<128x128xf32, #tpu.memory_space<vmem>>) target(%dma_start3A_125 : memref<128x128xf32, #tpu.memory_space<hbm>>) target_semaphore(%arg12 : memref<!tpu.dma_semaphore, #tpu.memory_space<semaphore_mem>>)
    %mul3A_126 = arith.constant 640 : i32
    %mul3A_127 = arith.muli %arg1, %mul3A_126 : i32
    %add3A_128 = arith.constant 128 : i32
    %add3A_129 = arith.addi %mul3A_127, %add3A_128 : i32
    "tpu.region"() ({
      %run_scoped3A = tpu.sem_alloc : memref<!tpu.dma_semaphore, #tpu.memory_space<semaphore_mem>>
      %dma_start3A_231 = arith.constant 0 : i32
      %dma_start3A_232 = tpu.memref_slice %arg11[%add3A_129, %dma_start3A_231] : memref<10240x128xf32, #tpu.memory_space<vmem_shared>> -> memref<128x128xf32, #tpu.memory_space<vmem_shared>>
      %dma_start3A_233 = arith.constant 0 : i32
      %dma_start3A_234 = tpu.memref_slice %arg11[%add3A_129, %dma_start3A_233] : memref<10240x128xf32, #tpu.memory_space<vmem_shared>> -> memref<128x128xf32, #tpu.memory_space<vmem_shared>>
      tpu.enqueue_dma source(%dma_start3A_234 : memref<128x128xf32, #tpu.memory_space<vmem_shared>>) target(%arg10 : memref<128x128xf32, #tpu.memory_space<vmem>>) target_semaphore(%run_scoped3A : memref<!tpu.dma_semaphore, #tpu.memory_space<semaphore_mem>>)
      %dma_wait3A_235 = arith.constant 0 : i32
      %dma_wait3A_236 = tpu.memref_slice %arg11[%add3A_129, %dma_wait3A_235] : memref<10240x128xf32, #tpu.memory_space<vmem_shared>> -> memref<128x128xf32, #tpu.memory_space<vmem_shared>>
      %dma_wait3A_237 = arith.constant 0 : i32
      %dma_wait3A_238 = tpu.memref_slice %arg11[%add3A_129, %dma_wait3A_237] : memref<10240x128xf32, #tpu.memory_space<vmem_shared>> -> memref<128x128xf32, #tpu.memory_space<vmem_shared>>
      tpu.wait_dma2 semaphore(%run_scoped3A : memref<!tpu.dma_semaphore, #tpu.memory_space<semaphore_mem>>) src(%dma_wait3A_238 : memref<128x128xf32, #tpu.memory_space<vmem_shared>>) dst(%arg10 : memref<128x128xf32, #tpu.memory_space<vmem>>)
      tpu.yield
    }) : () -> ()
    %mul3A_130 = arith.constant 640 : i32
    %mul3A_131 = arith.muli %arg1, %mul3A_130 : i32
    %add3A_132 = arith.constant 128 : i32
    %add3A_133 = arith.addi %mul3A_131, %add3A_132 : i32
    %dma_start3A_134 = arith.constant 0 : i32
    %dma_start3A_135 = tpu.memref_slice %arg6[%arg0, %add3A_133, %dma_start3A_134] : memref<2x10240x128xf32, #tpu.memory_space<hbm>> -> memref<1x128x128xf32, #tpu.memory_space<hbm>>
    %dma_start3A_136 = tpu.memref_squeeze %dma_start3A_135 : memref<1x128x128xf32, #tpu.memory_space<hbm>> -> memref<128x128xf32, #tpu.memory_space<hbm>>
    %dma_start3A_137 = arith.constant 0 : i32
    %dma_start3A_138 = tpu.memref_slice %arg6[%arg0, %add3A_133, %dma_start3A_137] : memref<2x10240x128xf32, #tpu.memory_space<hbm>> -> memref<1x128x128xf32, #tpu.memory_space<hbm>>
    %dma_start3A_139 = tpu.memref_squeeze %dma_start3A_138 : memref<1x128x128xf32, #tpu.memory_space<hbm>> -> memref<128x128xf32, #tpu.memory_space<hbm>>
    tpu.enqueue_dma source(%arg10 : memref<128x128xf32, #tpu.memory_space<vmem>>) target(%dma_start3A_139 : memref<128x128xf32, #tpu.memory_space<hbm>>) target_semaphore(%arg13 : memref<!tpu.dma_semaphore, #tpu.memory_space<semaphore_mem>>)
    %mul3A_140 = arith.constant 640 : i32
    %mul3A_141 = arith.muli %arg1, %mul3A_140 : i32
    %add3A_142 = arith.constant 0 : i32
    %add3A_143 = arith.addi %mul3A_141, %add3A_142 : i32
    %dma_wait3A = arith.constant 0 : i32
    %dma_wait3A_144 = tpu.memref_slice %arg6[%arg0, %add3A_143, %dma_wait3A] : memref<2x10240x128xf32, #tpu.memory_space<hbm>> -> memref<1x128x128xf32, #tpu.memory_space<hbm>>
    %dma_wait3A_145 = tpu.memref_squeeze %dma_wait3A_144 : memref<1x128x128xf32, #tpu.memory_space<hbm>> -> memref<128x128xf32, #tpu.memory_space<hbm>>
    %dma_wait3A_146 = arith.constant 0 : i32
    %dma_wait3A_147 = tpu.memref_slice %arg6[%arg0, %add3A_143, %dma_wait3A_146] : memref<2x10240x128xf32, #tpu.memory_space<hbm>> -> memref<1x128x128xf32, #tpu.memory_space<hbm>>
    %dma_wait3A_148 = tpu.memref_squeeze %dma_wait3A_147 : memref<1x128x128xf32, #tpu.memory_space<hbm>> -> memref<128x128xf32, #tpu.memory_space<hbm>>
    tpu.wait_dma2 semaphore(%arg12 : memref<!tpu.dma_semaphore, #tpu.memory_space<semaphore_mem>>) src(%arg9 : memref<128x128xf32, #tpu.memory_space<vmem>>) dst(%dma_wait3A_148 : memref<128x128xf32, #tpu.memory_space<hbm>>)
    %mul3A_149 = arith.constant 640 : i32
    %mul3A_150 = arith.muli %arg1, %mul3A_149 : i32
    %add3A_151 = arith.constant 256 : i32
    %add3A_152 = arith.addi %mul3A_150, %add3A_151 : i32
    "tpu.region"() ({
      %run_scoped3A = tpu.sem_alloc : memref<!tpu.dma_semaphore, #tpu.memory_space<semaphore_mem>>
      %dma_start3A_231 = arith.constant 0 : i32
      %dma_start3A_232 = tpu.memref_slice %arg11[%add3A_152, %dma_start3A_231] : memref<10240x128xf32, #tpu.memory_space<vmem_shared>> -> memref<128x128xf32, #tpu.memory_space<vmem_shared>>
      %dma_start3A_233 = arith.constant 0 : i32
      %dma_start3A_234 = tpu.memref_slice %arg11[%add3A_152, %dma_start3A_233] : memref<10240x128xf32, #tpu.memory_space<vmem_shared>> -> memref<128x128xf32, #tpu.memory_space<vmem_shared>>
      tpu.enqueue_dma source(%dma_start3A_234 : memref<128x128xf32, #tpu.memory_space<vmem_shared>>) target(%arg9 : memref<128x128xf32, #tpu.memory_space<vmem>>) target_semaphore(%run_scoped3A : memref<!tpu.dma_semaphore, #tpu.memory_space<semaphore_mem>>)
      %dma_wait3A_235 = arith.constant 0 : i32
      %dma_wait3A_236 = tpu.memref_slice %arg11[%add3A_152, %dma_wait3A_235] : memref<10240x128xf32, #tpu.memory_space<vmem_shared>> -> memref<128x128xf32, #tpu.memory_space<vmem_shared>>
      %dma_wait3A_237 = arith.constant 0 : i32
      %dma_wait3A_238 = tpu.memref_slice %arg11[%add3A_152, %dma_wait3A_237] : memref<10240x128xf32, #tpu.memory_space<vmem_shared>> -> memref<128x128xf32, #tpu.memory_space<vmem_shared>>
      tpu.wait_dma2 semaphore(%run_scoped3A : memref<!tpu.dma_semaphore, #tpu.memory_space<semaphore_mem>>) src(%dma_wait3A_238 : memref<128x128xf32, #tpu.memory_space<vmem_shared>>) dst(%arg9 : memref<128x128xf32, #tpu.memory_space<vmem>>)
      tpu.yield
    }) : () -> ()
    %mul3A_153 = arith.constant 640 : i32
    %mul3A_154 = arith.muli %arg1, %mul3A_153 : i32
    %add3A_155 = arith.constant 256 : i32
    %add3A_156 = arith.addi %mul3A_154, %add3A_155 : i32
    %dma_start3A_157 = arith.constant 0 : i32
    %dma_start3A_158 = tpu.memref_slice %arg6[%arg0, %add3A_156, %dma_start3A_157] : memref<2x10240x128xf32, #tpu.memory_space<hbm>> -> memref<1x128x128xf32, #tpu.memory_space<hbm>>
    %dma_start3A_159 = tpu.memref_squeeze %dma_start3A_158 : memref<1x128x128xf32, #tpu.memory_space<hbm>> -> memref<128x128xf32, #tpu.memory_space<hbm>>
    %dma_start3A_160 = arith.constant 0 : i32
    %dma_start3A_161 = tpu.memref_slice %arg6[%arg0, %add3A_156, %dma_start3A_160] : memref<2x10240x128xf32, #tpu.memory_space<hbm>> -> memref<1x128x128xf32, #tpu.memory_space<hbm>>
    %dma_start3A_162 = tpu.memref_squeeze %dma_start3A_161 : memref<1x128x128xf32, #tpu.memory_space<hbm>> -> memref<128x128xf32, #tpu.memory_space<hbm>>
    tpu.enqueue_dma source(%arg9 : memref<128x128xf32, #tpu.memory_space<vmem>>) target(%dma_start3A_162 : memref<128x128xf32, #tpu.memory_space<hbm>>) target_semaphore(%arg12 : memref<!tpu.dma_semaphore, #tpu.memory_space<semaphore_mem>>)
    %mul3A_163 = arith.constant 640 : i32
    %mul3A_164 = arith.muli %arg1, %mul3A_163 : i32
    %add3A_165 = arith.constant 128 : i32
    %add3A_166 = arith.addi %mul3A_164, %add3A_165 : i32
    %dma_wait3A_167 = arith.constant 0 : i32
    %dma_wait3A_168 = tpu.memref_slice %arg6[%arg0, %add3A_166, %dma_wait3A_167] : memref<2x10240x128xf32, #tpu.memory_space<hbm>> -> memref<1x128x128xf32, #tpu.memory_space<hbm>>
    %dma_wait3A_169 = tpu.memref_squeeze %dma_wait3A_168 : memref<1x128x128xf32, #tpu.memory_space<hbm>> -> memref<128x128xf32, #tpu.memory_space<hbm>>
    %dma_wait3A_170 = arith.constant 0 : i32
    %dma_wait3A_171 = tpu.memref_slice %arg6[%arg0, %add3A_166, %dma_wait3A_170] : memref<2x10240x128xf32, #tpu.memory_space<hbm>> -> memref<1x128x128xf32, #tpu.memory_space<hbm>>
    %dma_wait3A_172 = tpu.memref_squeeze %dma_wait3A_171 : memref<1x128x128xf32, #tpu.memory_space<hbm>> -> memref<128x128xf32, #tpu.memory_space<hbm>>
    tpu.wait_dma2 semaphore(%arg13 : memref<!tpu.dma_semaphore, #tpu.memory_space<semaphore_mem>>) src(%arg10 : memref<128x128xf32, #tpu.memory_space<vmem>>) dst(%dma_wait3A_172 : memref<128x128xf32, #tpu.memory_space<hbm>>)
    %mul3A_173 = arith.constant 640 : i32
    %mul3A_174 = arith.muli %arg1, %mul3A_173 : i32
    %add3A_175 = arith.constant 384 : i32
    %add3A_176 = arith.addi %mul3A_174, %add3A_175 : i32
    "tpu.region"() ({
      %run_scoped3A = tpu.sem_alloc : memref<!tpu.dma_semaphore, #tpu.memory_space<semaphore_mem>>
      %dma_start3A_231 = arith.constant 0 : i32
      %dma_start3A_232 = tpu.memref_slice %arg11[%add3A_176, %dma_start3A_231] : memref<10240x128xf32, #tpu.memory_space<vmem_shared>> -> memref<128x128xf32, #tpu.memory_space<vmem_shared>>
      %dma_start3A_233 = arith.constant 0 : i32
      %dma_start3A_234 = tpu.memref_slice %arg11[%add3A_176, %dma_start3A_233] : memref<10240x128xf32, #tpu.memory_space<vmem_shared>> -> memref<128x128xf32, #tpu.memory_space<vmem_shared>>
      tpu.enqueue_dma source(%dma_start3A_234 : memref<128x128xf32, #tpu.memory_space<vmem_shared>>) target(%arg10 : memref<128x128xf32, #tpu.memory_space<vmem>>) target_semaphore(%run_scoped3A : memref<!tpu.dma_semaphore, #tpu.memory_space<semaphore_mem>>)
      %dma_wait3A_235 = arith.constant 0 : i32
      %dma_wait3A_236 = tpu.memref_slice %arg11[%add3A_176, %dma_wait3A_235] : memref<10240x128xf32, #tpu.memory_space<vmem_shared>> -> memref<128x128xf32, #tpu.memory_space<vmem_shared>>
      %dma_wait3A_237 = arith.constant 0 : i32
      %dma_wait3A_238 = tpu.memref_slice %arg11[%add3A_176, %dma_wait3A_237] : memref<10240x128xf32, #tpu.memory_space<vmem_shared>> -> memref<128x128xf32, #tpu.memory_space<vmem_shared>>
      tpu.wait_dma2 semaphore(%run_scoped3A : memref<!tpu.dma_semaphore, #tpu.memory_space<semaphore_mem>>) src(%dma_wait3A_238 : memref<128x128xf32, #tpu.memory_space<vmem_shared>>) dst(%arg10 : memref<128x128xf32, #tpu.memory_space<vmem>>)
      tpu.yield
    }) : () -> ()
    %mul3A_177 = arith.constant 640 : i32
    %mul3A_178 = arith.muli %arg1, %mul3A_177 : i32
    %add3A_179 = arith.constant 384 : i32
    %add3A_180 = arith.addi %mul3A_178, %add3A_179 : i32
    %dma_start3A_181 = arith.constant 0 : i32
    %dma_start3A_182 = tpu.memref_slice %arg6[%arg0, %add3A_180, %dma_start3A_181] : memref<2x10240x128xf32, #tpu.memory_space<hbm>> -> memref<1x128x128xf32, #tpu.memory_space<hbm>>
    %dma_start3A_183 = tpu.memref_squeeze %dma_start3A_182 : memref<1x128x128xf32, #tpu.memory_space<hbm>> -> memref<128x128xf32, #tpu.memory_space<hbm>>
    %dma_start3A_184 = arith.constant 0 : i32
    %dma_start3A_185 = tpu.memref_slice %arg6[%arg0, %add3A_180, %dma_start3A_184] : memref<2x10240x128xf32, #tpu.memory_space<hbm>> -> memref<1x128x128xf32, #tpu.memory_space<hbm>>
    %dma_start3A_186 = tpu.memref_squeeze %dma_start3A_185 : memref<1x128x128xf32, #tpu.memory_space<hbm>> -> memref<128x128xf32, #tpu.memory_space<hbm>>
    tpu.enqueue_dma source(%arg10 : memref<128x128xf32, #tpu.memory_space<vmem>>) target(%dma_start3A_186 : memref<128x128xf32, #tpu.memory_space<hbm>>) target_semaphore(%arg13 : memref<!tpu.dma_semaphore, #tpu.memory_space<semaphore_mem>>)
    %mul3A_187 = arith.constant 640 : i32
    %mul3A_188 = arith.muli %arg1, %mul3A_187 : i32
    %add3A_189 = arith.constant 256 : i32
    %add3A_190 = arith.addi %mul3A_188, %add3A_189 : i32
    %dma_wait3A_191 = arith.constant 0 : i32
    %dma_wait3A_192 = tpu.memref_slice %arg6[%arg0, %add3A_190, %dma_wait3A_191] : memref<2x10240x128xf32, #tpu.memory_space<hbm>> -> memref<1x128x128xf32, #tpu.memory_space<hbm>>
    %dma_wait3A_193 = tpu.memref_squeeze %dma_wait3A_192 : memref<1x128x128xf32, #tpu.memory_space<hbm>> -> memref<128x128xf32, #tpu.memory_space<hbm>>
    %dma_wait3A_194 = arith.constant 0 : i32
    %dma_wait3A_195 = tpu.memref_slice %arg6[%arg0, %add3A_190, %dma_wait3A_194] : memref<2x10240x128xf32, #tpu.memory_space<hbm>> -> memref<1x128x128xf32, #tpu.memory_space<hbm>>
    %dma_wait3A_196 = tpu.memref_squeeze %dma_wait3A_195 : memref<1x128x128xf32, #tpu.memory_space<hbm>> -> memref<128x128xf32, #tpu.memory_space<hbm>>
    tpu.wait_dma2 semaphore(%arg12 : memref<!tpu.dma_semaphore, #tpu.memory_space<semaphore_mem>>) src(%arg9 : memref<128x128xf32, #tpu.memory_space<vmem>>) dst(%dma_wait3A_196 : memref<128x128xf32, #tpu.memory_space<hbm>>)
    %mul3A_197 = arith.constant 640 : i32
    %mul3A_198 = arith.muli %arg1, %mul3A_197 : i32
    %add3A_199 = arith.constant 512 : i32
    %add3A_200 = arith.addi %mul3A_198, %add3A_199 : i32
    "tpu.region"() ({
      %run_scoped3A = tpu.sem_alloc : memref<!tpu.dma_semaphore, #tpu.memory_space<semaphore_mem>>
      %dma_start3A_231 = arith.constant 0 : i32
      %dma_start3A_232 = tpu.memref_slice %arg11[%add3A_200, %dma_start3A_231] : memref<10240x128xf32, #tpu.memory_space<vmem_shared>> -> memref<128x128xf32, #tpu.memory_space<vmem_shared>>
      %dma_start3A_233 = arith.constant 0 : i32
      %dma_start3A_234 = tpu.memref_slice %arg11[%add3A_200, %dma_start3A_233] : memref<10240x128xf32, #tpu.memory_space<vmem_shared>> -> memref<128x128xf32, #tpu.memory_space<vmem_shared>>
      tpu.enqueue_dma source(%dma_start3A_234 : memref<128x128xf32, #tpu.memory_space<vmem_shared>>) target(%arg9 : memref<128x128xf32, #tpu.memory_space<vmem>>) target_semaphore(%run_scoped3A : memref<!tpu.dma_semaphore, #tpu.memory_space<semaphore_mem>>)
      %dma_wait3A_235 = arith.constant 0 : i32
      %dma_wait3A_236 = tpu.memref_slice %arg11[%add3A_200, %dma_wait3A_235] : memref<10240x128xf32, #tpu.memory_space<vmem_shared>> -> memref<128x128xf32, #tpu.memory_space<vmem_shared>>
      %dma_wait3A_237 = arith.constant 0 : i32
      %dma_wait3A_238 = tpu.memref_slice %arg11[%add3A_200, %dma_wait3A_237] : memref<10240x128xf32, #tpu.memory_space<vmem_shared>> -> memref<128x128xf32, #tpu.memory_space<vmem_shared>>
      tpu.wait_dma2 semaphore(%run_scoped3A : memref<!tpu.dma_semaphore, #tpu.memory_space<semaphore_mem>>) src(%dma_wait3A_238 : memref<128x128xf32, #tpu.memory_space<vmem_shared>>) dst(%arg9 : memref<128x128xf32, #tpu.memory_space<vmem>>)
      tpu.yield
    }) : () -> ()
    %mul3A_201 = arith.constant 640 : i32
    %mul3A_202 = arith.muli %arg1, %mul3A_201 : i32
    %add3A_203 = arith.constant 512 : i32
    %add3A_204 = arith.addi %mul3A_202, %add3A_203 : i32
    %dma_start3A_205 = arith.constant 0 : i32
    %dma_start3A_206 = tpu.memref_slice %arg6[%arg0, %add3A_204, %dma_start3A_205] : memref<2x10240x128xf32, #tpu.memory_space<hbm>> -> memref<1x128x128xf32, #tpu.memory_space<hbm>>
    %dma_start3A_207 = tpu.memref_squeeze %dma_start3A_206 : memref<1x128x128xf32, #tpu.memory_space<hbm>> -> memref<128x128xf32, #tpu.memory_space<hbm>>
    %dma_start3A_208 = arith.constant 0 : i32
    %dma_start3A_209 = tpu.memref_slice %arg6[%arg0, %add3A_204, %dma_start3A_208] : memref<2x10240x128xf32, #tpu.memory_space<hbm>> -> memref<1x128x128xf32, #tpu.memory_space<hbm>>
    %dma_start3A_210 = tpu.memref_squeeze %dma_start3A_209 : memref<1x128x128xf32, #tpu.memory_space<hbm>> -> memref<128x128xf32, #tpu.memory_space<hbm>>
    tpu.enqueue_dma source(%arg9 : memref<128x128xf32, #tpu.memory_space<vmem>>) target(%dma_start3A_210 : memref<128x128xf32, #tpu.memory_space<hbm>>) target_semaphore(%arg12 : memref<!tpu.dma_semaphore, #tpu.memory_space<semaphore_mem>>)
    %mul3A_211 = arith.constant 640 : i32
    %mul3A_212 = arith.muli %arg1, %mul3A_211 : i32
    %add3A_213 = arith.constant 384 : i32
    %add3A_214 = arith.addi %mul3A_212, %add3A_213 : i32
    %dma_wait3A_215 = arith.constant 0 : i32
    %dma_wait3A_216 = tpu.memref_slice %arg6[%arg0, %add3A_214, %dma_wait3A_215] : memref<2x10240x128xf32, #tpu.memory_space<hbm>> -> memref<1x128x128xf32, #tpu.memory_space<hbm>>
    %dma_wait3A_217 = tpu.memref_squeeze %dma_wait3A_216 : memref<1x128x128xf32, #tpu.memory_space<hbm>> -> memref<128x128xf32, #tpu.memory_space<hbm>>
    %dma_wait3A_218 = arith.constant 0 : i32
    %dma_wait3A_219 = tpu.memref_slice %arg6[%arg0, %add3A_214, %dma_wait3A_218] : memref<2x10240x128xf32, #tpu.memory_space<hbm>> -> memref<1x128x128xf32, #tpu.memory_space<hbm>>
    %dma_wait3A_220 = tpu.memref_squeeze %dma_wait3A_219 : memref<1x128x128xf32, #tpu.memory_space<hbm>> -> memref<128x128xf32, #tpu.memory_space<hbm>>
    tpu.wait_dma2 semaphore(%arg13 : memref<!tpu.dma_semaphore, #tpu.memory_space<semaphore_mem>>) src(%arg10 : memref<128x128xf32, #tpu.memory_space<vmem>>) dst(%dma_wait3A_220 : memref<128x128xf32, #tpu.memory_space<hbm>>)
    %mul3A_221 = arith.constant 640 : i32
    %mul3A_222 = arith.muli %arg1, %mul3A_221 : i32
    %add3A_223 = arith.constant 512 : i32
    %add3A_224 = arith.addi %mul3A_222, %add3A_223 : i32
    %dma_wait3A_225 = arith.constant 0 : i32
    %dma_wait3A_226 = tpu.memref_slice %arg6[%arg0, %add3A_224, %dma_wait3A_225] : memref<2x10240x128xf32, #tpu.memory_space<hbm>> -> memref<1x128x128xf32, #tpu.memory_space<hbm>>
    %dma_wait3A_227 = tpu.memref_squeeze %dma_wait3A_226 : memref<1x128x128xf32, #tpu.memory_space<hbm>> -> memref<128x128xf32, #tpu.memory_space<hbm>>
    %dma_wait3A_228 = arith.constant 0 : i32
    %dma_wait3A_229 = tpu.memref_slice %arg6[%arg0, %add3A_224, %dma_wait3A_228] : memref<2x10240x128xf32, #tpu.memory_space<hbm>> -> memref<1x128x128xf32, #tpu.memory_space<hbm>>
    %dma_wait3A_230 = tpu.memref_squeeze %dma_wait3A_229 : memref<1x128x128xf32, #tpu.memory_space<hbm>> -> memref<128x128xf32, #tpu.memory_space<hbm>>
    tpu.wait_dma2 semaphore(%arg12 : memref<!tpu.dma_semaphore, #tpu.memory_space<semaphore_mem>>) src(%arg9 : memref<128x128xf32, #tpu.memory_space<vmem>>) dst(%dma_wait3A_230 : memref<128x128xf32, #tpu.memory_space<hbm>>)
    "tpu.trace_stop"() : () -> ()
    return
  }
}

module attributes {stable_mosaic.version = 14 : i64} {
  func.func @_hist_body(%arg0: i32, %arg1: memref<1x1x8192xi32, #tpu.memory_space<vmem>>, %arg2: memref<128x128xf32, #tpu.memory_space<vmem>>) attributes {dimension_semantics = [#tpu.dimension_semantics<arbitrary>], iteration_bounds = array<i64: 40>, scalar_prefetch = 0 : i64, scratch_operands = 0 : i64, tpu.core_type = #tpu.core_type<tc>, window_params = [{transform_indices = @transform_0, window_bounds = array<i64: 1, 1, 8192>}, {pipeline_mode = #tpu.pipeline_mode<synchronous>, transform_indices = @transform_1, window_bounds = array<i64: 128, 128>}]} {
    %eq3A = arith.constant 0 : i32
    %eq3A_0 = arith.cmpi eq, %arg0, %eq3A : i32
    %convert_element_type3A = arith.extui %eq3A_0 : i1 to i32
    %cond3A = arith.constant 0 : i32
    %cond3A_1 = arith.cmpi ne, %convert_element_type3A, %cond3A : i32
    scf.if %cond3A_1 {
      %broadcast_in_dim3A_28 = arith.constant 0.000000e+00 : f32
      %broadcast_in_dim3A_29 = vector.broadcast %broadcast_in_dim3A_28 : f32 to vector<128x128xf32>
      %swap3A_30 = arith.constant 0 : index
      %swap3A_31 = arith.constant 0 : index
      %swap3A_32 = vector.load %arg2[%swap3A_30, %swap3A_31] : memref<128x128xf32, #tpu.memory_space<vmem>>, vector<128x128xf32>
      tpu.vector_store %arg2[%swap3A_30, %swap3A_31], %broadcast_in_dim3A_29 {strides = array<i32>} : memref<128x128xf32, #tpu.memory_space<vmem>>, vector<128x128xf32>,
    } else {
    }
    %get3A = arith.constant 0 : index
    %get3A_2 = arith.constant 0 : index
    %get3A_3 = arith.constant 0 : index
    %get3A_4 = vector.load %arg1[%get3A, %get3A_2, %get3A_3] : memref<1x1x8192xi32, #tpu.memory_space<vmem>>, vector<1x1x8192xi32>
    %get3A_5 = vector.shape_cast %get3A_4 : vector<1x1x8192xi32> to vector<8192xi32>
    %shift_right_arithmetic3A = arith.constant 7 : i32
    %shift_right_arithmetic3A_6 = vector.broadcast %shift_right_arithmetic3A : i32 to vector<8192xi32>
    %shift_right_arithmetic3A_7 = arith.shrsi %get3A_5, %shift_right_arithmetic3A_6 : vector<8192xi32>
    %and3A = arith.constant 127 : i32
    %and3A_8 = vector.broadcast %and3A : i32 to vector<8192xi32>
    %and3A_9 = arith.andi %get3A_5, %and3A_8 : vector<8192xi32>
    %broadcast_in_dim3A = vector.shape_cast %shift_right_arithmetic3A_7 : vector<8192xi32> to vector<8192x1xi32>
    %iota3A = tpu.iota {dimensions = array<i32: 1>} : vector<8192x128xi32>
    %eq3A_10 = vector.broadcast %broadcast_in_dim3A : vector<8192x1xi32> to vector<8192x128xi32>
    %eq3A_11 = arith.cmpi eq, %eq3A_10, %iota3A : vector<8192x128xi32>
    %convert_element_type3A_12 = arith.extui %eq3A_11 : vector<8192x128xi1> to vector<8192x128xi32>
    %convert_element_type3A_13 = arith.sitofp %convert_element_type3A_12 : vector<8192x128xi32> to vector<8192x128xf32>
    %convert_element_type3A_14 = arith.truncf %convert_element_type3A_13 : vector<8192x128xf32> to vector<8192x128xbf16>
    %broadcast_in_dim3A_15 = vector.shape_cast %and3A_9 : vector<8192xi32> to vector<8192x1xi32>
    %iota3A_16 = tpu.iota {dimensions = array<i32: 1>} : vector<8192x128xi32>
    %eq3A_17 = vector.broadcast %broadcast_in_dim3A_15 : vector<8192x1xi32> to vector<8192x128xi32>
    %eq3A_18 = arith.cmpi eq, %eq3A_17, %iota3A_16 : vector<8192x128xi32>
    %convert_element_type3A_19 = arith.extui %eq3A_18 : vector<8192x128xi1> to vector<8192x128xi32>
    %convert_element_type3A_20 = arith.sitofp %convert_element_type3A_19 : vector<8192x128xi32> to vector<8192x128xf32>
    %convert_element_type3A_21 = arith.truncf %convert_element_type3A_20 : vector<8192x128xf32> to vector<8192x128xbf16>
    %get3A_22 = arith.constant 0 : index
    %get3A_23 = arith.constant 0 : index
    %get3A_24 = vector.load %arg2[%get3A_22, %get3A_23] : memref<128x128xf32, #tpu.memory_space<vmem>>, vector<128x128xf32>
    %dot_general3A = arith.constant dense<0.000000e+00> : vector<128x128xf32>
    %dot_general3A_25 = tpu.matmul %convert_element_type3A_14, %convert_element_type3A_21, %dot_general3A {dimension_numbers = #tpu.dot_dimension_numbers<[0], [0], [1], [1], [0, 1, 1, 1], [], []>, transpose_lhs_hint = false} : vector<8192x128xbf16>, vector<8192x128xbf16>, vector<128x128xf32> -> vector<128x128xf32>
    %add3A = arith.addf %get3A_24, %dot_general3A_25 : vector<128x128xf32>
    %swap3A = arith.constant 0 : index
    %swap3A_26 = arith.constant 0 : index
    %swap3A_27 = vector.load %arg2[%swap3A, %swap3A_26] : memref<128x128xf32, #tpu.memory_space<vmem>>, vector<128x128xf32>
    tpu.vector_store %arg2[%swap3A, %swap3A_26], %add3A {strides = array<i32>} : memref<128x128xf32, #tpu.memory_space<vmem>>, vector<128x128xf32>,
    return
  }
  func.func @transform_0(%arg0: i32) -> (i32, i32, i32) {
    %c0_i32 = arith.constant 0 : i32
    %c0_i32_0 = arith.constant 0 : i32
    %c0_i32_1 = arith.constant 0 : i32
    return %arg0, %c0_i32, %c0_i32_0 : i32, i32, i32
  }
  func.func @transform_1(%arg0: i32) -> (i32, i32) {
    %c0_i32 = arith.constant 0 : i32
    %c0_i32_0 = arith.constant 0 : i32
    %c0_i32_1 = arith.constant 0 : i32
    return %c0_i32, %c0_i32_0 : i32, i32
  }
}

module attributes {stable_mosaic.version = 14 : i64} {
  func.func @_xw_body(%arg0: i32, %arg1: memref<1000x128xf32, #tpu.memory_space<vmem>>, %arg2: memref<128x128xf32, #tpu.memory_space<vmem>>, %arg3: memref<1000x1xf32, #tpu.memory_space<vmem>>, %arg4: memref<1000x128xf32, #tpu.memory_space<vmem>>) attributes {dimension_semantics = [#tpu.dimension_semantics<arbitrary>], iteration_bounds = array<i64: 10>, scalar_prefetch = 0 : i64, scratch_operands = 0 : i64, tpu.core_type = #tpu.core_type<tc>, window_params = [{transform_indices = @transform_0, window_bounds = array<i64: 1000, 128>}, {pipeline_mode = #tpu.pipeline_mode<synchronous>, transform_indices = @transform_1, window_bounds = array<i64: 128, 128>}, {transform_indices = @transform_2, window_bounds = array<i64: 1000, 1>}, {transform_indices = @transform_3, window_bounds = array<i64: 1000, 128>}]} {
    %get3A = arith.constant 0 : index
    %get3A_0 = arith.constant 0 : index
    %get3A_1 = vector.load %arg1[%get3A, %get3A_0] : memref<1000x128xf32, #tpu.memory_space<vmem>>, vector<1000x128xf32>
    %get3A_2 = arith.constant 0 : index
    %get3A_3 = arith.constant 0 : index
    %get3A_4 = vector.load %arg2[%get3A_2, %get3A_3] : memref<128x128xf32, #tpu.memory_space<vmem>>, vector<128x128xf32>
    %dot_general3A = arith.constant dense<0.000000e+00> : vector<1000x128xf32>
    %dot_general3A_5 = tpu.matmul %get3A_1, %get3A_4, %dot_general3A {dimension_numbers = #tpu.dot_dimension_numbers<[1], [0], [0], [1], [0, 0, 1, 1], [], []>, transpose_lhs_hint = false} : vector<1000x128xf32>, vector<128x128xf32>, vector<1000x128xf32> -> vector<1000x128xf32>
    %get3A_6 = arith.constant 0 : index
    %get3A_7 = arith.constant 0 : index
    %get3A_8 = vector.load %arg3[%get3A_6, %get3A_7] : memref<1000x1xf32, #tpu.memory_space<vmem>>, vector<1000x1xf32>
    %gt3A = arith.constant 0.000000e+00 : f32
    %gt3A_9 = vector.broadcast %gt3A : f32 to vector<1000x1xf32>
    %gt3A_10 = arith.cmpf ogt, %get3A_8, %gt3A_9 : vector<1000x1xf32>
    %max3A = arith.constant 9.99999996E-13 : f32
    %max3A_11 = vector.broadcast %max3A : f32 to vector<1000x1xf32>
    %max3A_12 = arith.maximumf %get3A_8, %max3A_11 : vector<1000x1xf32>
    %rsqrt3A = math.rsqrt %max3A_12 : vector<1000x1xf32>
    %jit3A = arith.constant 0.000000e+00 : f32
    %broadcast_in_dim3A = vector.broadcast %jit3A : f32 to vector<1000x1xf32>
    %select_n3A = arith.select %gt3A_10, %rsqrt3A, %broadcast_in_dim3A : vector<1000x1xi1>, vector<1000x1xf32>
    %mul3A = vector.broadcast %select_n3A : vector<1000x1xf32> to vector<1000x128xf32>
    %mul3A_13 = arith.mulf %dot_general3A_5, %mul3A : vector<1000x128xf32>
    %swap3A = arith.constant 0 : index
    %swap3A_14 = arith.constant 0 : index
    %swap3A_15 = vector.load %arg4[%swap3A, %swap3A_14] : memref<1000x128xf32, #tpu.memory_space<vmem>>, vector<1000x128xf32>
    tpu.vector_store %arg4[%swap3A, %swap3A_14], %mul3A_13 {strides = array<i32>} : memref<1000x128xf32, #tpu.memory_space<vmem>>, vector<1000x128xf32>,
    return
  }
  func.func @transform_0(%arg0: i32) -> (i32, i32) {
    %c0_i32 = arith.constant 0 : i32
    %c0_i32_0 = arith.constant 0 : i32
    return %arg0, %c0_i32 : i32, i32
  }
  func.func @transform_1(%arg0: i32) -> (i32, i32) {
    %c0_i32 = arith.constant 0 : i32
    %c0_i32_0 = arith.constant 0 : i32
    %c0_i32_1 = arith.constant 0 : i32
    return %c0_i32, %c0_i32_0 : i32, i32
  }
  func.func @transform_2(%arg0: i32) -> (i32, i32) {
    %c0_i32 = arith.constant 0 : i32
    %c0_i32_0 = arith.constant 0 : i32
    return %arg0, %c0_i32 : i32, i32
  }
  func.func @transform_3(%arg0: i32) -> (i32, i32) {
    %c0_i32 = arith.constant 0 : i32
    %c0_i32_0 = arith.constant 0 : i32
    return %arg0, %c0_i32 : i32, i32
  }
}

module attributes {stable_mosaic.version = 14 : i64} {
  func.func @_final_body(%arg0: i32, %arg1: memref<2x1000x128xf32, #tpu.memory_space<vmem>>, %arg2: memref<1000x1xf32, #tpu.memory_space<vmem>>, %arg3: memref<1x1x1000xi32, #tpu.memory_space<vmem>>, %arg4: memref<128xf32, #tpu.memory_space<vmem>>, %arg5: memref<128x128xf32, #tpu.memory_space<vmem>>, %arg6: memref<128xf32, #tpu.memory_space<vmem>>, %arg7: memref<1024x128xf32, #tpu.memory_space<vmem>>, %arg8: memref<1024x128xf32, #tpu.memory_space<vmem>>, %arg9: memref<1024xf32, #tpu.memory_space<vmem>>) attributes {dimension_semantics = [#tpu.dimension_semantics<arbitrary>], iteration_bounds = array<i64: 10>, scalar_prefetch = 0 : i64, scratch_operands = 2 : i64, tpu.core_type = #tpu.core_type<tc>, window_params = [{transform_indices = @transform_0, window_bounds = array<i64: 2, 1000, 128>}, {transform_indices = @transform_1, window_bounds = array<i64: 1000, 1>}, {transform_indices = @transform_2, window_bounds = array<i64: 1, 1, 1000>}, {pipeline_mode = #tpu.pipeline_mode<synchronous>, transform_indices = @transform_3, window_bounds = array<i64: 128>}, {pipeline_mode = #tpu.pipeline_mode<synchronous>, transform_indices = @transform_4, window_bounds = array<i64: 128, 128>}, {pipeline_mode = #tpu.pipeline_mode<synchronous>, transform_indices = @transform_5, window_bounds = array<i64: 128>}, {pipeline_mode = #tpu.pipeline_mode<synchronous>, transform_indices = @transform_6, window_bounds = array<i64: 1024, 128>}]} {
    %eq3A = arith.constant 0 : i32
    %eq3A_0 = arith.cmpi eq, %arg0, %eq3A : i32
    %convert_element_type3A = arith.extui %eq3A_0 : i1 to i32
    %cond3A = arith.constant 0 : i32
    %cond3A_1 = arith.cmpi ne, %convert_element_type3A, %cond3A : i32
    scf.if %cond3A_1 {
      %broadcast_in_dim3A_55 = arith.constant 0.000000e+00 : f32
      %broadcast_in_dim3A_56 = vector.broadcast %broadcast_in_dim3A_55 : f32 to vector<1024x128xf32>
      %swap3A_57 = arith.constant 0 : index
      %swap3A_58 = arith.constant 0 : index
      %swap3A_59 = vector.load %arg8[%swap3A_57, %swap3A_58] : memref<1024x128xf32, #tpu.memory_space<vmem>>, vector<1024x128xf32>
      tpu.vector_store %arg8[%swap3A_57, %swap3A_58], %broadcast_in_dim3A_56 {strides = array<i32>} : memref<1024x128xf32, #tpu.memory_space<vmem>>, vector<1024x128xf32>,
      %broadcast_in_dim3A_60 = arith.constant 0.000000e+00 : f32
      %broadcast_in_dim3A_61 = vector.broadcast %broadcast_in_dim3A_60 : f32 to vector<1024xf32>
      %swap3A_62 = arith.constant 0 : index
      %swap3A_63 = vector.load %arg9[%swap3A_62] : memref<1024xf32, #tpu.memory_space<vmem>>, vector<1024xf32>
      tpu.vector_store %arg9[%swap3A_62], %broadcast_in_dim3A_61 {strides = array<i32>} : memref<1024xf32, #tpu.memory_space<vmem>>, vector<1024xf32>,
    } else {
    }
    %get3A = arith.constant 0 : index
    %get3A_2 = arith.constant 0 : index
    %get3A_3 = arith.constant 0 : index
    %get3A_4 = vector.load %arg1[%get3A, %get3A_2, %get3A_3] : memref<2x1000x128xf32, #tpu.memory_space<vmem>>, vector<1x1000x128xf32>
    %get3A_5 = vector.shape_cast %get3A_4 : vector<1x1000x128xf32> to vector<1000x128xf32>
    %get3A_6 = arith.constant 1 : index
    %get3A_7 = arith.constant 0 : index
    %get3A_8 = arith.constant 0 : index
    %get3A_9 = vector.load %arg1[%get3A_6, %get3A_7, %get3A_8] : memref<2x1000x128xf32, #tpu.memory_space<vmem>>, vector<1x1000x128xf32>
    %get3A_10 = vector.shape_cast %get3A_9 : vector<1x1000x128xf32> to vector<1000x128xf32>
    %add3A = arith.addf %get3A_5, %get3A_10 : vector<1000x128xf32>
    %get3A_11 = arith.constant 0 : index
    %get3A_12 = arith.constant 0 : index
    %get3A_13 = vector.load %arg2[%get3A_11, %get3A_12] : memref<1000x1xf32, #tpu.memory_space<vmem>>, vector<1000x1xf32>
    %gt3A = arith.constant 0.000000e+00 : f32
    %gt3A_14 = vector.broadcast %gt3A : f32 to vector<1000x1xf32>
    %gt3A_15 = arith.cmpf ogt, %get3A_13, %gt3A_14 : vector<1000x1xf32>
    %max3A = arith.constant 9.99999996E-13 : f32
    %max3A_16 = vector.broadcast %max3A : f32 to vector<1000x1xf32>
    %max3A_17 = arith.maximumf %get3A_13, %max3A_16 : vector<1000x1xf32>
    %rsqrt3A = math.rsqrt %max3A_17 : vector<1000x1xf32>
    %jit3A = arith.constant 0.000000e+00 : f32
    %broadcast_in_dim3A = vector.broadcast %jit3A : f32 to vector<1000x1xf32>
    %select_n3A = arith.select %gt3A_15, %rsqrt3A, %broadcast_in_dim3A : vector<1000x1xi1>, vector<1000x1xf32>
    %mul3A = vector.broadcast %select_n3A : vector<1000x1xf32> to vector<1000x128xf32>
    %mul3A_18 = arith.mulf %add3A, %mul3A : vector<1000x128xf32>
    %get3A_19 = arith.constant 0 : index
    %get3A_20 = vector.load %arg4[%get3A_19] : memref<128xf32, #tpu.memory_space<vmem>>, vector<128xf32>
    %broadcast_in_dim3A_21 = vector.shape_cast %get3A_20 : vector<128xf32> to vector<1x128xf32>
    %add3A_22 = vector.broadcast %broadcast_in_dim3A_21 : vector<1x128xf32> to vector<1000x128xf32>
    %add3A_23 = arith.addf %mul3A_18, %add3A_22 : vector<1000x128xf32>
    %max3A_24 = arith.constant 0.000000e+00 : f32
    %max3A_25 = vector.broadcast %max3A_24 : f32 to vector<1000x128xf32>
    %max3A_26 = arith.maximumf %add3A_23, %max3A_25 : vector<1000x128xf32>
    %get3A_27 = arith.constant 0 : index
    %get3A_28 = arith.constant 0 : index
    %get3A_29 = arith.constant 0 : index
    %get3A_30 = vector.load %arg3[%get3A_27, %get3A_28, %get3A_29] : memref<1x1x1000xi32, #tpu.memory_space<vmem>>, vector<1x1x1000xi32>
    %get3A_31 = vector.shape_cast %get3A_30 : vector<1x1x1000xi32> to vector<1000xi32>
    %broadcast_in_dim3A_32 = vector.shape_cast %get3A_31 : vector<1000xi32> to vector<1000x1xi32>
    %iota3A = tpu.iota {dimensions = array<i32: 1>} : vector<1000x1024xi32>
    %eq3A_33 = vector.broadcast %broadcast_in_dim3A_32 : vector<1000x1xi32> to vector<1000x1024xi32>
    %eq3A_34 = arith.cmpi eq, %eq3A_33, %iota3A : vector<1000x1024xi32>
    %convert_element_type3A_35 = arith.extui %eq3A_34 : vector<1000x1024xi1> to vector<1000x1024xi32>
    %convert_element_type3A_36 = arith.sitofp %convert_element_type3A_35 : vector<1000x1024xi32> to vector<1000x1024xf32>
    %get3A_37 = arith.constant 0 : index
    %get3A_38 = arith.constant 0 : index
    %get3A_39 = vector.load %arg8[%get3A_37, %get3A_38] : memref<1024x128xf32, #tpu.memory_space<vmem>>, vector<1024x128xf32>
    %dot_general3A = arith.constant dense<0.000000e+00> : vector<1024x128xf32>
    %dot_general3A_40 = tpu.matmul %convert_element_type3A_36, %max3A_26, %dot_general3A {dimension_numbers = #tpu.dot_dimension_numbers<[0], [0], [1], [1], [0, 1, 1, 1], [], []>, transpose_lhs_hint = false} : vector<1000x1024xf32>, vector<1000x128xf32>, vector<1024x128xf32> -> vector<1024x128xf32>
    %add3A_41 = arith.addf %get3A_39, %dot_general3A_40 : vector<1024x128xf32>
    %swap3A = arith.constant 0 : index
    %swap3A_42 = arith.constant 0 : index
    %swap3A_43 = vector.load %arg8[%swap3A, %swap3A_42] : memref<1024x128xf32, #tpu.memory_space<vmem>>, vector<1024x128xf32>
    tpu.vector_store %arg8[%swap3A, %swap3A_42], %add3A_41 {strides = array<i32>} : memref<1024x128xf32, #tpu.memory_space<vmem>>, vector<1024x128xf32>,
    %get3A_44 = arith.constant 0 : index
    %get3A_45 = vector.load %arg9[%get3A_44] : memref<1024xf32, #tpu.memory_space<vmem>>, vector<1024xf32>
    %reduce_sum3A = arith.constant dense<0.000000e+00> : vector<1024xf32>
    %reduce_sum3A_46 = vector.multi_reduction <add>, %convert_element_type3A_36, %reduce_sum3A [0] : vector<1000x1024xf32> to vector<1024xf32>
    %add3A_47 = arith.addf %get3A_45, %reduce_sum3A_46 : vector<1024xf32>
    %swap3A_48 = arith.constant 0 : index
    %swap3A_49 = vector.load %arg9[%swap3A_48] : memref<1024xf32, #tpu.memory_space<vmem>>, vector<1024xf32>
    tpu.vector_store %arg9[%swap3A_48], %add3A_47 {strides = array<i32>} : memref<1024xf32, #tpu.memory_space<vmem>>, vector<1024xf32>,
    %eq3A_50 = arith.constant 9 : i32
    %eq3A_51 = arith.cmpi eq, %arg0, %eq3A_50 : i32
    %convert_element_type3A_52 = arith.extui %eq3A_51 : i1 to i32
    %cond3A_53 = arith.constant 0 : i32
    %cond3A_54 = arith.cmpi ne, %convert_element_type3A_52, %cond3A_53 : i32
    scf.if %cond3A_54 {
      %get3A_55 = arith.constant 0 : index
      %get3A_56 = arith.constant 0 : index
      %get3A_57 = vector.load %arg8[%get3A_55, %get3A_56] : memref<1024x128xf32, #tpu.memory_space<vmem>>, vector<1024x128xf32>
      %get3A_58 = arith.constant 0 : index
      %get3A_59 = vector.load %arg9[%get3A_58] : memref<1024xf32, #tpu.memory_space<vmem>>, vector<1024xf32>
      %max3A_60 = arith.constant 1.000000e+00 : f32
      %max3A_61 = vector.broadcast %max3A_60 : f32 to vector<1024xf32>
      %max3A_62 = arith.maximumf %get3A_59, %max3A_61 : vector<1024xf32>
      %broadcast_in_dim3A_63 = vector.shape_cast %max3A_62 : vector<1024xf32> to vector<1024x1xf32>
      %div3A = vector.broadcast %broadcast_in_dim3A_63 : vector<1024x1xf32> to vector<1024x128xf32>
      %div3A_64 = arith.divf %get3A_57, %div3A : vector<1024x128xf32>
      %get3A_65 = arith.constant 0 : index
      %get3A_66 = arith.constant 0 : index
      %get3A_67 = vector.load %arg5[%get3A_65, %get3A_66] : memref<128x128xf32, #tpu.memory_space<vmem>>, vector<128x128xf32>
      %dot_general3A_68 = arith.constant dense<0.000000e+00> : vector<1024x128xf32>
      %dot_general3A_69 = tpu.matmul %div3A_64, %get3A_67, %dot_general3A_68 {dimension_numbers = #tpu.dot_dimension_numbers<[1], [0], [0], [1], [0, 0, 1, 1], [], []>, transpose_lhs_hint = false} : vector<1024x128xf32>, vector<128x128xf32>, vector<1024x128xf32> -> vector<1024x128xf32>
      %get3A_70 = arith.constant 0 : index
      %get3A_71 = vector.load %arg6[%get3A_70] : memref<128xf32, #tpu.memory_space<vmem>>, vector<128xf32>
      %broadcast_in_dim3A_72 = vector.shape_cast %get3A_71 : vector<128xf32> to vector<1x128xf32>
      %add3A_73 = vector.broadcast %broadcast_in_dim3A_72 : vector<1x128xf32> to vector<1024x128xf32>
      %add3A_74 = arith.addf %dot_general3A_69, %add3A_73 : vector<1024x128xf32>
      %swap3A_75 = arith.constant 0 : index
      %swap3A_76 = arith.constant 0 : index
      %swap3A_77 = vector.load %arg7[%swap3A_75, %swap3A_76] : memref<1024x128xf32, #tpu.memory_space<vmem>>, vector<1024x128xf32>
      tpu.vector_store %arg7[%swap3A_75, %swap3A_76], %add3A_74 {strides = array<i32>} : memref<1024x128xf32, #tpu.memory_space<vmem>>, vector<1024x128xf32>,
    } else {
    }
    return
  }
  func.func @transform_0(%arg0: i32) -> (i32, i32, i32) {
    %c0_i32 = arith.constant 0 : i32
    %c0_i32_0 = arith.constant 0 : i32
    %c0_i32_1 = arith.constant 0 : i32
    return %c0_i32, %arg0, %c0_i32_0 : i32, i32, i32
  }
  func.func @transform_1(%arg0: i32) -> (i32, i32) {
    %c0_i32 = arith.constant 0 : i32
    %c0_i32_0 = arith.constant 0 : i32
    return %arg0, %c0_i32 : i32, i32
  }
  func.func @transform_2(%arg0: i32) -> (i32, i32, i32) {
    %c0_i32 = arith.constant 0 : i32
    %c0_i32_0 = arith.constant 0 : i32
    %c0_i32_1 = arith.constant 0 : i32
    return %arg0, %c0_i32, %c0_i32_0 : i32, i32, i32
  }
  func.func @transform_3(%arg0: i32) -> i32 {
    %c0_i32 = arith.constant 0 : i32
    %c0_i32_0 = arith.constant 0 : i32
    return %c0_i32 : i32
  }
  func.func @transform_4(%arg0: i32) -> (i32, i32) {
    %c0_i32 = arith.constant 0 : i32
    %c0_i32_0 = arith.constant 0 : i32
    %c0_i32_1 = arith.constant 0 : i32
    return %c0_i32, %c0_i32_0 : i32, i32
  }
  func.func @transform_5(%arg0: i32) -> i32 {
    %c0_i32 = arith.constant 0 : i32
    %c0_i32_0 = arith.constant 0 : i32
    return %c0_i32 : i32
  }
  func.func @transform_6(%arg0: i32) -> (i32, i32) {
    %c0_i32 = arith.constant 0 : i32
    %c0_i32_0 = arith.constant 0 : i32
    %c0_i32_1 = arith.constant 0 : i32
    return %c0_i32, %c0_i32_0 : i32, i32
  }
}

</mosaic_0001>

<sc_bundles>
// kernel: kernel.6.cloned.1.call-start
scs
__scs_entry_jumppad:
0x0: {  	(pc) =	sbr.rel $0x88, $3  }
0x1: {  	(tag) =	ssettag $0x0;
	lr =	simm.s32 $0x1  }
0x2: {  	[smem:$0x3F9A] =	sst lr;
	_ =	strace $0xD0000000  }
0x3: {  	_ = 	snop  }
0x4: {  	_ = 	snop  }
0x5: {  	_ = 	snop  }
0x6: {  	_ = 	snop  }
0x7: {  	_ = 	snop  }
__scs_overlays_trampoline_lowered:
0x8: {  	[smem:$0x3FA9] =	sst s0  }
0x9: {  	[smem:$0x3FAA] =	sst s1  }
0xa: {  	[smem:$0x3FAB] =	sst s2  }
0xb: {  	[smem:$0x3FAC] =	sst s3  }
0xc: {  	[smem:$0x3FAD] =	sst s4  }
0xd: {  	[smem:$0x3FAE] =	sst s5  }
0xe: {  	[smem:$0x3FAF] =	sst s6  }
0xf: {  	[smem:$0x3FB0] =	sst s7  }
0x10: {  	[smem:$0x3FB1] =	sst s8  }
0x11: {  	[smem:$0x3FB2] =	sst s9;
	s0 =	simm.s32 @!p0 $0x0  }
0x12: {  	s1 =	sld [smem:$0x3F98];
	s0 =	simm.s32 @p0 $0x1  }
0x13: {  	[smem:$0x3FB3] =	sst s0;
	s0 =	simm.s32 @!p1 $0x0  }
0x14: {  	s2 =	sld [smem:$0x3F97];
	s0 =	simm.s32 @p1 $0x1  }
0x15: {  	[smem:$0x3FB4] =	sst s0;
	s0 =	simm.s32 @!p2 $0x0  }
0x16: {  	s3 =	sld [smem:$0x3FDB];
	s0 =	simm.s32 @p2 $0x1  }
0x17: {  	s4 =	simm.s32 $0x1BF5;
	[smem:$0x3FB6] =	sst s0  }
0x18: {  	s0 =	sld [smem:$0x3F99];
	_ =	swait.ge [sflag:s4], $0x0  }
0x19: {  	s7 =	sld [smem:$0x3F9A]  }
0x1a: {  	s8 =	sadd.s32 $0xFFFFE003, lr  }
0x1b: {  	s9 =	sadd.s32 $0xFFFFFEF7, lr;
	s5 =	simm.s32 $0xFFFFFFFF;
	p2 =	slt.u32 s8, $0xFFFFF086  }
0x1c: {  	p1 =	slt.u32 s9, $0xF7A;
	s5 =	simm.s32 @!p2 $0x0  }
0x1d: {  	s5 =	simm.s32 @p1 $0x1;
	p0 =	seq.s32 s7, s2  }
0x1e: {  	s7 =	smul.u32 @!p0 $0xF7A, s2;
	p2 =	seq.s32 @!p0 s5, $0x0  }
0x1f: {  	s9 =	smul.u32 $0xF7A, s1;
	s8 =	simm.s32 @!p0 $0x1BF5;
	p2 =	por !p2, p0  }
0x20: {  	[sflag:s8] =	ssyncset.s32 @!p0 $0xFFFFF086;
	s6 =	sadd.s32 @!p0 s3, s7;
	s7 =	simm.s32 @!p0 $0x108  }
0x21: {  	s3 =	sadd.s32 s3, s9;
	s6 =	sadd.s32 @!p0 $0x88, s6;
	s7 =	simm.s32 @p2 $0x1082  }
0x22: {  	[simem:s7], [sflag:s8] =	dma.local @!p0 [hbm:s6], $0xF7A  }
0x23: {  	s9 =	sor.u32 $0xD0000000, s2;
	s6 =	simm.s32 $0x108;
	_ =	swait.ge @!p0 [sflag:s8], $0x0  }
0x24: {  	s3 =	sadd.s32 $0x88, s3;
	s6 =	simm.s32 @!p1 $0x1082;
	[sflag:s4] =	ssyncset.s32 $0xFFFFF086  }
0x25: {  	[simem:s6], [sflag:s4] =	dma.local [hbm:s3], $0xF7A  }
0x26: {  	[smem:$0x3F9A] =	sst s1;
	(tag) =	ssettag s2;
	_ =	strace s9  }
0x27: {  	s1 =	sld [smem:$0x3FAA]  }
0x28: {  	s2 =	sld [smem:$0x3FAB]  }
0x29: {  	s4 =	sld [smem:$0x3FAD]  }
0x2a: {  	p0 =	seq.s32 s5, $0x0;
	s5 =	sld [smem:$0x3FAE]  }
0x2b: {  	s6 =	sld [smem:$0x3FAF]  }
0x2c: {  	s7 =	sld [smem:$0x3FB0]  }
0x2d: {  	s3 =	simm.s32 $0x108;
	s8 =	sld [smem:$0x3FB1]  }
0x2e: {  	s3 =	simm.s32 @!p0 $0x1082;
	s9 =	sld [smem:$0x3FB2]  }
0x2f: {  	lr =	sadd.s32 s0, s3;
	s0 =	sld [smem:$0x3FA9]  }
0x30: {  	s3 =	sld [smem:$0x3FAC]  }
0x31: {  	[smem:$0x3FB5] =	sst s10  }
0x32: {  	s10 =	sld [smem:$0x3FB3];
	_ =	sdelay $0x3  }
0x33: {  	p0 =	seq.s32 s10, $0x1;
	s10 =	sld [smem:$0x3FB5];
	_ =	sdelay $0x3  }
0x34: {  	[smem:$0x3FB5] =	sst s10  }
0x35: {  	s10 =	sld [smem:$0x3FB4];
	_ =	sdelay $0x3  }
0x36: {  	p1 =	seq.s32 s10, $0x1;
	s10 =	sld [smem:$0x3FB5];
	_ =	sdelay $0x3  }
0x37: {  	[smem:$0x3FB5] =	sst s10  }
0x38: {  	s10 =	sld [smem:$0x3FB6]  }
0x39: {  	_ = 	snop;
	(pc) =	sbr.ind lr, $3  }
0x3a: {  	_ = 	snop  }
0x3b: {  	_ = 	snop  }
0x3c: {  	p2 =	seq.s32 s10, $0x1;
	s10 =	sld [smem:$0x3FB5]  }
0x3d: {  	_ =	shalt  }
0x3e: {  	_ =	shalt  }
0x3f: {  	_ =	shalt  }
0x40: {  	_ =	shalt  }
0x41: {  	_ =	shalt  }
0x42: {  	_ =	shalt  }
0x43: {  	_ =	shalt  }
0x44: {  	_ =	shalt  }
0x45: {  	_ =	shalt  }
0x46: {  	_ =	shalt  }
0x47: {  	_ =	shalt  }
0x48: {  	_ =	shalt  }
0x49: {  	_ =	shalt  }
0x4a: {  	_ =	shalt  }
0x4b: {  	_ =	shalt  }
0x4c: {  	_ =	shalt  }
0x4d: {  	_ =	shalt  }
0x4e: {  	_ =	shalt  }
0x4f: {  	_ =	shalt  }
0x50: {  	_ =	shalt  }
0x51: {  	_ =	shalt  }
0x52: {  	_ =	shalt  }
0x53: {  	_ =	shalt  }
0x54: {  	_ =	shalt  }
0x55: {  	_ =	shalt  }
0x56: {  	_ =	shalt  }
0x57: {  	_ =	shalt  }
0x58: {  	_ =	shalt  }
0x59: {  	_ =	shalt  }
0x5a: {  	_ =	shalt  }
0x5b: {  	_ =	shalt  }
0x5c: {  	_ =	shalt  }
0x5d: {  	_ =	shalt  }
0x5e: {  	_ =	shalt  }
0x5f: {  	_ =	shalt  }
0x60: {  	_ =	shalt  }
0x61: {  	_ =	shalt  }
0x62: {  	_ =	shalt  }
0x63: {  	_ =	shalt  }
0x64: {  	_ =	shalt  }
0x65: {  	_ =	shalt  }
0x66: {  	_ =	shalt  }
0x67: {  	_ =	shalt  }
0x68: {  	_ =	shalt  }
0x69: {  	_ =	shalt  }
0x6a: {  	_ =	shalt  }
0x6b: {  	_ =	shalt  }
0x6c: {  	_ =	shalt  }
0x6d: {  	_ =	shalt  }
0x6e: {  	_ =	shalt  }
0x6f: {  	_ =	shalt  }
0x70: {  	_ =	shalt  }
0x71: {  	_ =	shalt  }
0x72: {  	_ =	shalt  }
0x73: {  	_ =	shalt  }
0x74: {  	_ =	shalt  }
0x75: {  	_ =	shalt  }
0x76: {  	_ =	shalt  }
0x77: {  	_ =	shalt  }
0x78: {  	_ =	shalt  }
0x79: {  	_ =	shalt  }
0x7a: {  	_ =	shalt  }
0x7b: {  	_ =	shalt  }
0x7c: {  	_ =	shalt  }
0x7d: {  	_ =	shalt  }
0x7e: {  	_ =	shalt  }
0x7f: {  	_ =	shalt  }
0x80: {  	_ =	shalt  }
0x81: {  	_ =	shalt  }
0x82: {  	_ =	shalt  }
0x83: {  	_ =	shalt  }
0x84: {  	_ =	shalt  }
0x85: {  	_ =	shalt  }
0x86: {  	_ =	shalt  }
0x87: {  	_ =	shalt  }
.Lfunc_end0:
.L_simem_size_0:
called_computation_lowered:
.L_overlay_start_0:
0x88: {  	s2 =	sld [smem:$0x3FD9]  }
0x89: {  	s3 =	sld [smem:$0x3FFE];
	_ =	sdelay $0x1  }
0x8a: {  	s1 =	srdreg.scid  }
0x8b: {  	s0 =	sand.u32 $0x1, s1  }
0x8c: {  	s17 =	sshll.u32 s0, $0xA;
	s2 =	sadd.s32 s3, s2  }
0x8d: {  	s2 =	sadd.s32 s2, s17  }
0x8e: {  	[smem:$0x3FC1] =	sst s2  }
0x8f: {  	_ = 	snop  }
0x90: {  	s2 =	sld [smem:$0x3FD0];
	(tm) =	ssettm $0x1  }
0x91: {  	s18 =	sld [smem:$0x3FFB];
	_ =	sdelay $0x3  }
0x92: {  	_ =	strace s18  }
0x93: {  	s3 =	sld [smem:$0x3FFC];
	_ =	sdelay $0x3  }
0x94: {  	_ =	strace s3  }
0x95: {  	s3 =	sld [smem:$0x3FFD];
	_ =	sdelay $0x3  }
0x96: {  	_ =	strace s3  }
0x97: {  	_ =	strace $0x8FFFFFFF  }
0x98: {  	s19 =	sld [smem:$0x3FDB];
	_ =	sdelay $0x1  }
0x99: {  	s4 =	simm.s32 $_scs_section_size  }
0x9a: {  	s5 =	simm.s32 $_size__tile_overlayer_lowered;
	s6 =	simm.s32 $_tile_overlayer_lowered  }
0x9b: {  	s22 =	simm.s32 $0x1BFF;
	s21 =	sshll.u32 s6, $0x1;
	s3 =	sadd.s32 s4, s19  }
0x9c: {  	s7 =	simm.s32 $0x0;
	s20 =	sshll.u32 s5, $0x1;
	s5 =	sadd.s32 s21, s3  }
0x9d: {  	[timem:s7], [sflag:s22] =	dma.local [hbm:s5], s20  }
0x9e: {  	_ =	swait.ge [sflag:s22], s20  }
0x9f: {  	s4 =	ssub.s32 $0x0, s20;
	[sflag:s22] =	ssyncset.done $0x0  }
0xa0: {  	[sflag:s22] =	ssyncadd.s32 s4;
	_ =	sdelay $0x1  }
0xa1: {  	s23 =	simm.s32 $0x1B8B  }
0xa2: {  	_ =	swait.ge [sflag:s23], $0x1  }
0xa3: {  	[sflag:s23] =	ssyncset.done $0x0  }
0xa4: {  	s25 =	simm.s32 $0x1B8E;
	s24 =	sld [smem:$0x3FFE];
	[sflag:s23] =	ssyncadd.s32 $0xFFFFFFFF  }
0xa5: {  	s26 =	simm.s32 $execute0_lowered;
	[smem:$0x3FD2] =	sst s25  }
0xa6: {  	s5 =	sshll.u32 s26, $0x1;
	_ =	strace $0x80000046;
	[dreg:$0x1] =	wrdreg $0xFFFFFFFF  }
0xa7: {  	s28 =	simm.s32 $_size_execute0_lowered;
	s3 =	sadd.s32 s3, s5;
	[dreg:$0x0] =	wrdreg $0x0  }
0xa8: {  	s5 =	sshll.u32 s28, $0x1;
	[dreg:$0x2] =	wrdreg s3  }
0xa9: {  	[dreg:$0x3] =	wrdreg s5  }
0xaa: {  	[dreg:$0x4] =	wrdreg $0xC0  }
0xab: {  	_ =	task [dreg:s7], $0x5FFFF  }
0xac: {  	[dreg:$0x1] =	wrdreg $0xFFFFFFFF  }
0xad: {  	[dreg:$0x0] =	wrdreg $0x60  }
0xae: {  	[dreg:$0x2] =	wrdreg s24  }
0xaf: {  	[dreg:$0x3] =	wrdreg s2  }
0xb0: {  	[dreg:$0x4] =	wrdreg $0xA8000  }
0xb1: {  	[dreg:$0x5] =	wrdreg $0x9  }
0xb2: {  	_ =	task.clear_ibuf [dreg:s7], $0x6FFFF;
	_ =	strace $0x90000046  }
0xb3: {  	s29 =	simm.s32 $0x9;
	_ =	strace $0x8000004C  }
0xb4: {  	_ =	swait.ge [sflag:s29], $0x1  }
0xb5: {  	[sflag:s29] =	ssyncadd.s32 $0xFFFFFFFF  }
0xb6: {  	_ =	strace $0x9000004C  }
0xb7: {  	_ =	sfence  }
0xb8: {  	s30 =	sld [smem:$0x0];
	_ =	sdelay $0x2  }
0xb9: {  	s31 =	sshll.u32 s1, $0xD;
	s1 =	sshrl.u32 s1, $0x2  }
0xba: {  	s3 =	sand.u32 $0x4000, s31;
	s1 =	sadd.s32 s1, s30  }
0xbb: {  	s0 =	sor.u32 s3, s0;
	s1 =	sshll.u32 s1, $0x11  }
0xbc: {  	s0 =	sor.u32 s1, s0  }
0xbd: {  	s0 =	sadd.s32 $0x8F2B, s0  }
0xbe: {  	[sflag:s0] =	ssyncadd.remote.s32 $0x1  }
0xbf: {  	_ =	sfence.sel $0xFFFF  }
0xc0: {  	[dreg:$0x0] =	wrdreg $0xFFFFFFFF;
	(pc) =	sbr.abs _section_cstart, $3  }
0xc1: {  	[dreg:$0x1] =	wrdreg $0xFFFFFFFF  }
0xc2: {  	_ =	task.clear_ibuf [dreg:s7], $0x2FFFF;
	_ =	strace $0x9FFFFFFF  }
0xc3: {  	(tm) =	ssettm $0x7FFFFFFF  }
tec
execute0_lowered:
.L_overlay_start_1:
0x0: {  	(tag) =	ssettag $0x1  }
0x1: {  	s0 =	rddreg [dreg:$0x0]  }
0x2: {  	s2 =	rddreg [dreg:$0x2];
	s3 =	simm.s32 $0x0  }
0x3: {  	s1 =	srdreg.scid;
	s10 =	stileid.u32;
	s28 =	simm.s32 $0x6800  }
0x4: {  	s29 =	simm.s32 $0xC0;
	s30 =	simm.s32 $0x8800;
	s31 =	simm.s32 $0x1  }
0x5: {  	[smem:$0x7FF] =	sst s3;
	s5 =	sadd.s32 $0x14E00, s0;
	s1 =	sand.u32 $0x1, s1  }
0x6: {  	s4 =	sadd.s32 $0xAE00, s0;
	s7 =	smul.u32 $0x50000, s10;
	s11 =	sadd.s32 $0xE00, s0  }
0x7: {  	s0 =	sadd.s32 $0x3C000, s0;
	s9 =	sshll.u32 s10, $0x1;
	s12 =	smul.u32 $0x14000, s10  }
0x8: {  	_ =	strace $0x80000047;
	s6 =	ssub.s32 $0x2, s1;
	s20 =	sor.u32 s1, s9  }
0x9: {  	s1 =	smul.u32 $0x140000, s1;
	s8 =	sshrl.u32 s6, $0x1;
	s7 =	sshrl.u32 s7, $0x2  }
0xa: {  	s14 =	sadd.s32 $0x4000, s12;
	s15 =	sadd.s32 $0x8000, s12;
	s9 =	smul.u32 $0x2800, s20  }
0xb: {  	s17 =	sadd.s32 $0xC000, s12;
	s18 =	sadd.s32 $0x10000, s12;
	s13 =	ssub.s32 s6, s8  }
0xc: {  	s6 =	sadd.s32 s7, s2;
	s7 =	sadd.s32 s14, s2;
	s8 =	sadd.s32 s15, s2  }
0xd: {  	s10 =	sadd.s32 s18, s2;
	s12 =	sadd.s32 s12, s1;
	s23 =	sadd.s32 s1, s14  }
0xe: {  	s25 =	sadd.s32 s1, s15;
	s26 =	sadd.s32 s1, s17;
	s1 =	sadd.s32 s1, s18  }
0xf: {  	s16 =	sshrl.u32 s9, $0x3;
	s9 =	sadd.s32 s17, s2;
	s22 =	sshrl.u32 s12, $0x3  }
0x10: {  	s24 =	sshrl.u32 s23, $0x3;
	s1 =	sshrl.u32 s1, $0x3;
	s20 =	smax.u32 s13, $0x1  }
0x11: {  	s23 =	simm.s32 $0x1400;
	s12 =	simm.s32 $0x2780;
	s19 =	sadd.s32 s4, s16  }
0x12: {  	s21 =	sadd.s32 s11, s16;
	s16 =	sadd.s32 $0x280, s16;
	[dreg:$0x4] =	wrdreg s19  }
0x13: {  	s13 =	simm.s32 $0x0;
	[dreg:$0x5] =	wrdreg s21;
	s4 =	sadd.s32 s4, s16  }
0x14: {  	s11 =	sadd.s32 s11, s16;
	s19 =	sadd.s32 s0, s1;
	[dreg:$0x6] =	wrdreg s4  }
0x15: {  	s21 =	simm.s32 $0x2800;
	s1 =	simm.s32 $0x4;
	[dreg:$0x7] =	wrdreg s11  }
0x16: {  	s4 =	sadd.s32 s0, s22;
	s11 =	sshrl.u32 s26, $0x3;
	s22 =	simm.s32 $0x5  }
0x17: {  	s26 =	simm.s32 $0x80;
	[dreg:$0x8] =	wrdreg s4;
	s4 =	sadd.s32 s0, s24  }
0x18: {  	s18 =	sadd.s32 s0, s11;
	s24 =	simm.s32 $0x40;
	s11 =	simm.s32 $0x2700  }
0x19: {  	[dreg:$0x9] =	wrdreg s4;
	s4 =	sshrl.u32 s25, $0x3;
	s25 =	simm.s32 $0x4800  }
0x1a: {  	s17 =	sadd.s32 s0, s4;
	s0 =	simm.s32 $0x2;
	s4 =	simm.s32 $0x3  }
.LBB2_1:
0x1b: {  	_ =	strace $0x80000048  }
0x1c: {  	s14 =	rddreg [dreg:$0x1]  }
0x1d: {  	[tilespmem:s21], [sflag:$0x5] =	stream.linear.gather [hbm4b:s14+s3], $0x4000, $0x200038;
	[tilespmem:$0x1E800] =	vst v63  }
0x1e: {  	_ =	swait.ge [sflag:s22], $0x4000  }
0x1f: {  	[sflag:s22] =	ssyncset.done $0x0  }
0x20: {  	[sflag:s22] =	ssyncadd.s32 $0xFFFFC000  }
0x21: {  	[spmem:s6] =	stream.linear.scatter [tilespmem:s21], [sflag:$0x5], $0x4000, $0x200038;
	[tilespmem:$0x1E800] =	vst v63  }
0x22: {  	_ =	swait.ge [sflag:s22], $0x4000  }
0x23: {  	[sflag:s22] =	ssyncset.done $0x0  }
0x24: {  	[sflag:s22] =	ssyncadd.s32 $0xFFFFC000  }
0x25: {  	[spmem:s7] =	stream.linear.scatter [tilespmem:s21], [sflag:$0x5], $0x4000, $0x200038;
	[tilespmem:$0x1E800] =	vst v63  }
0x26: {  	_ =	swait.ge [sflag:s22], $0x4000  }
0x27: {  	[sflag:s22] =	ssyncset.done $0x0  }
0x28: {  	[sflag:s22] =	ssyncadd.s32 $0xFFFFC000  }
0x29: {  	[spmem:s8] =	stream.linear.scatter [tilespmem:s21], [sflag:$0x5], $0x4000, $0x200038;
	[tilespmem:$0x1E800] =	vst v63  }
0x2a: {  	_ =	swait.ge [sflag:s22], $0x4000  }
0x2b: {  	[sflag:s22] =	ssyncset.done $0x0  }
0x2c: {  	[sflag:s22] =	ssyncadd.s32 $0xFFFFC000  }
0x2d: {  	[spmem:s9] =	stream.linear.scatter [tilespmem:s21], [sflag:$0x5], $0x4000, $0x200038;
	[tilespmem:$0x1E800] =	vst v63  }
0x2e: {  	_ =	swait.ge [sflag:s22], $0x4000  }
0x2f: {  	[sflag:s22] =	ssyncset.done $0x0  }
0x30: {  	[sflag:s22] =	ssyncadd.s32 $0xFFFFC000  }
0x31: {  	[spmem:s10] =	stream.linear.scatter [tilespmem:s21], [sflag:$0x5], $0x4000, $0x200038;
	[tilespmem:$0x1E800] =	vst v63  }
0x32: {  	_ =	swait.ge [sflag:s22], $0x4000  }
0x33: {  	[sflag:s22] =	ssyncset.done $0x0  }
0x34: {  	[sflag:s22] =	ssyncadd.s32 $0xFFFFC000  }
0x35: {  	[bflag:$0x0] =	sbarrier.arrive $0xFFFF  }
0x36: {  	_ =	strace $0x90000048  }
0x37: {  	_ =	strace $0x80000049  }
0x38: {  	s16 =	rddreg [dreg:$0x4]  }
0x39: {  	[tilespmem:s3], [sflag:$0x5] =	stream.linear.gather [hbm4b:s16+s3], $0x1400, $0x200038;
	[tilespmem:$0x1E800] =	vst v63  }
0x3a: {  	_ =	swait.ge [sflag:s22], $0x1400  }
0x3b: {  	[sflag:s22] =	ssyncset.done $0x0  }
0x3c: {  	s15 =	rddreg [dreg:$0x5];
	[sflag:s22] =	ssyncadd.s32 $0xFFFFEC00  }
0x3d: {  	[tilespmem:s23], [sflag:$0x5] =	stream.linear.gather [hbm4b:s15+s3], $0x1400, $0x200038;
	[tilespmem:$0x1E800] =	vst v63  }
0x3e: {  	_ =	swait.ge [sflag:s22], $0x1400  }
0x3f: {  	[sflag:s22] =	ssyncset.done $0x0  }
0x40: {  	[sflag:s22] =	ssyncadd.s32 $0xFFFFEC00  }
0x41: {  	[tilespmem:s21], [sflag:$0x1] =	stream.indirect.gather [hbm4b:s5+s24], $0x80, s3, s24, $0x2000b8;
	[tilespmem:$0x1E800] =	vst v63  }
0x42: {  	_ = 	snop  }
0x43: {  	[tilespmem:s25], [sflag:$0x2] =	stream.indirect.gather [hbm4b:s5+s24], $0x80, s24, s24, $0x2000b8;
	[tilespmem:$0x1E800] =	vst v63  }
0x44: {  	_ = 	snop  }
0x45: {  	[tilespmem:s28], [sflag:$0x3] =	stream.indirect.gather [hbm4b:s5+s24], $0x80, s26, s24, $0x2000b8;
	[tilespmem:$0x1E800] =	vst v63  }
0x46: {  	_ = 	snop  }
0x47: {  	[tilespmem:s30], [sflag:$0x4] =	stream.indirect.gather [hbm4b:s5+s24], $0x80, s29, s24, $0x2000b8;
	[tilespmem:$0x1E800] =	vst v63  }
0x48: {  	_ =	swait.ge [sflag:s31], $0x2000  }
0x49: {  	[sflag:s31] =	ssyncset.done $0x0  }
0x4a: {  	[sflag:s31] =	ssyncadd.s32 $0xFFFFE000  }
0x4b: {  	_ =	swait.ge [sflag:s0], $0x2000  }
0x4c: {  	[sflag:s0] =	ssyncset.done $0x0  }
0x4d: {  	s16 =	simm.s32 $0x1400;
	[sflag:s0] =	ssyncadd.s32 $0xFFFFE000  }
0x4e: {  	[spmem:s2] =	stream.indirect.scatter.add.f32 [tilespmem:s21], [sflag:$0x5], $0x80, s16, s26, $0x2000b8;
	[tilespmem:$0x1E800] =	vst v63  }
0x4f: {  	_ =	swait.ge [sflag:s22], $0x4000  }
0x50: {  	[sflag:s22] =	ssyncset.done $0x0  }
0x51: {  	s15 =	simm.s32 $0x100;
	[sflag:s22] =	ssyncadd.s32 $0xFFFFC000  }
0x52: {  	[tilespmem:s21], [sflag:$0x1] =	stream.indirect.gather [hbm4b:s5+s24], $0x80, s15, s24, $0x2000b8;
	[tilespmem:$0x1E800] =	vst v63  }
0x53: {  	s16 =	simm.s32 $0x140  }
0x54: {  	[tilespmem:s25], [sflag:$0x2] =	stream.indirect.gather [hbm4b:s5+s24], $0x80, s16, s24, $0x2000b8;
	[tilespmem:$0x1E800] =	vst v63  }
0x55: {  	_ =	swait.ge [sflag:s4], $0x2000  }
0x56: {  	[sflag:s4] =	ssyncset.done $0x0  }
0x57: {  	[sflag:s4] =	ssyncadd.s32 $0xFFFFE000  }
0x58: {  	_ =	swait.ge [sflag:s1], $0x2000  }
0x59: {  	[sflag:s1] =	ssyncset.done $0x0  }
0x5a: {  	s15 =	simm.s32 $0x1480;
	[sflag:s1] =	ssyncadd.s32 $0xFFFFE000  }
0x5b: {  	[spmem:s2] =	stream.indirect.scatter.add.f32 [tilespmem:s28], [sflag:$0x5], $0x80, s15, s26, $0x2000b8;
	[tilespmem:$0x1E800] =	vst v63  }
0x5c: {  	_ =	swait.ge [sflag:s22], $0x4000  }
0x5d: {  	s14 =	simm.s32 $0x400;
	[sflag:s22] =	ssyncset.done $0x0  }
0x5e: {  	s16 =	simm.s32 $0x180;
	s15 =	simm.s32 $0x1C0;
	[sflag:s22] =	ssyncadd.s32 $0xFFFFC000  }
0x5f: {  	[tilespmem:s28], [sflag:$0x3] =	stream.indirect.gather [hbm4b:s5+s24], $0x80, s16, s24, $0x2000b8;
	[tilespmem:$0x1E800] =	vst v63  }
.LBB2_2:
0x60: {  	[tilespmem:s30], [sflag:$0x4] =	stream.indirect.gather [hbm4b:s5+s24], $0x80, s15, s24, $0x2000b8;
	[tilespmem:$0x1E800] =	vst v63  }
0x61: {  	s15 =	smov.u32 s14  }
0x62: {  	p0 =	sne.s32 s14, $0x4800;
	s14 =	sadd.s32 $0x400, s14;
	_ =	swait.ge [sflag:s31], $0x2000  }
0x63: {  	[sflag:s31] =	ssyncset.done $0x0  }
0x64: {  	[sflag:s31] =	ssyncadd.s32 $0xFFFFE000  }
0x65: {  	_ =	swait.ge [sflag:s0], $0x2000  }
0x66: {  	s15 =	sshra.s32 s15, $0x2;
	[sflag:s0] =	ssyncset.done $0x0  }
0x67: {  	s16 =	sadd.s32 $0x1400, s15;
	[sflag:s0] =	ssyncadd.s32 $0xFFFFE000  }
0x68: {  	[spmem:s2] =	stream.indirect.scatter.add.f32 [tilespmem:s21], [sflag:$0x5], $0x80, s16, s26, $0x2000b8;
	[tilespmem:$0x1E800] =	vst v63  }
0x69: {  	_ =	swait.ge [sflag:s22], $0x4000  }
0x6a: {  	[sflag:s22] =	ssyncset.done $0x0  }
0x6b: {  	s16 =	sadd.s32 $0x100, s15;
	[sflag:s22] =	ssyncadd.s32 $0xFFFFC000  }
0x6c: {  	[tilespmem:s21], [sflag:$0x1] =	stream.indirect.gather [hbm4b:s5+s24], $0x80, s16, s24, $0x2000b8;
	[tilespmem:$0x1E800] =	vst v63  }
0x6d: {  	s16 =	sadd.s32 $0x140, s15  }
0x6e: {  	[tilespmem:s25], [sflag:$0x2] =	stream.indirect.gather [hbm4b:s5+s24], $0x80, s16, s24, $0x2000b8;
	[tilespmem:$0x1E800] =	vst v63  }
0x6f: {  	_ =	swait.ge [sflag:s4], $0x2000  }
0x70: {  	[sflag:s4] =	ssyncset.done $0x0  }
0x71: {  	[sflag:s4] =	ssyncadd.s32 $0xFFFFE000  }
0x72: {  	_ =	swait.ge [sflag:s1], $0x2000  }
0x73: {  	[sflag:s1] =	ssyncset.done $0x0  }
0x74: {  	s16 =	sadd.s32 $0x1480, s15;
	[sflag:s1] =	ssyncadd.s32 $0xFFFFE000  }
0x75: {  	[spmem:s2] =	stream.indirect.scatter.add.f32 [tilespmem:s28], [sflag:$0x5], $0x80, s16, s26, $0x2000b8;
	[tilespmem:$0x1E800] =	vst v63  }
.Ltmp0:
0x76: {  	_ =	swait.ge [sflag:s22], $0x4000;
	(pc) =	sbr.rel @p0 .LBB2_2-.Ltmp0, $4  }
0x77: {  	[sflag:s22] =	ssyncset.done $0x0  }
0x78: {  	s16 =	sadd.s32 $0x180, s15;
	[sflag:s22] =	ssyncadd.s32 $0xFFFFC000  }
0x79: {  	[tilespmem:s28], [sflag:$0x3] =	stream.indirect.gather [hbm4b:s5+s24], $0x80, s16, s24, $0x2000b8;
	[tilespmem:$0x1E800] =	vst v63  }
0x7a: {  	s15 =	sadd.s32 $0x1C0, s15  }
0x7b: {  	[tilespmem:s30], [sflag:$0x4] =	stream.indirect.gather [hbm4b:s5+s24], $0x80, s15, s24, $0x2000b8;
	[tilespmem:$0x1E800] =	vst v63  }
0x7c: {  	_ =	swait.ge [sflag:s31], $0x2000  }
0x7d: {  	[sflag:s31] =	ssyncset.done $0x0  }
0x7e: {  	[sflag:s31] =	ssyncadd.s32 $0xFFFFE000  }
0x7f: {  	_ =	swait.ge [sflag:s0], $0x2000  }
0x80: {  	[sflag:s0] =	ssyncset.done $0x0  }
0x81: {  	[sflag:s0] =	ssyncadd.s32 $0xFFFFE000  }
0x82: {  	[spmem:s2] =	stream.indirect.scatter.add.f32 [tilespmem:s21], [sflag:$0x5], $0x80, s11, s26, $0x2000b8;
	[tilespmem:$0x1E800] =	vst v63  }
0x83: {  	_ =	swait.ge [sflag:s22], $0x4000  }
0x84: {  	[sflag:s22] =	ssyncset.done $0x0  }
0x85: {  	[sflag:s22] =	ssyncadd.s32 $0xFFFFC000  }
0x86: {  	_ =	swait.ge [sflag:s4], $0x2000  }
0x87: {  	[sflag:s4] =	ssyncset.done $0x0  }
0x88: {  	[sflag:s4] =	ssyncadd.s32 $0xFFFFE000  }
0x89: {  	_ =	swait.ge [sflag:s1], $0x2000  }
0x8a: {  	[sflag:s1] =	ssyncset.done $0x0  }
0x8b: {  	[sflag:s1] =	ssyncadd.s32 $0xFFFFE000  }
0x8c: {  	[spmem:s2] =	stream.indirect.scatter.add.f32 [tilespmem:s28], [sflag:$0x5], $0x80, s12, s26, $0x2000b8;
	[tilespmem:$0x1E800] =	vst v63  }
0x8d: {  	_ =	swait.ge [sflag:s22], $0x4000  }
0x8e: {  	[sflag:s22] =	ssyncset.done $0x0  }
0x8f: {  	[sflag:s22] =	ssyncadd.s32 $0xFFFFC000  }
0x90: {  	_ =	strace $0x90000049  }
0x91: {  	_ =	strace $0x8000004A  }
0x92: {  	s14 =	simm.s32 $0x0;
	s16 =	rddreg [dreg:$0x6]  }
0x93: {  	[tilespmem:s14], [sflag:$0x5] =	stream.linear.gather [hbm4b:s16+s14], $0x1400, $0x200038;
	[tilespmem:$0x1E800] =	vst v63  }
0x94: {  	_ =	swait.ge [sflag:s22], $0x1400  }
0x95: {  	[sflag:s22] =	ssyncset.done $0x0  }
0x96: {  	s16 =	rddreg [dreg:$0x7];
	[sflag:s22] =	ssyncadd.s32 $0xFFFFEC00  }
0x97: {  	[tilespmem:s23], [sflag:$0x5] =	stream.linear.gather [hbm4b:s16+s14], $0x1400, $0x200038;
	[tilespmem:$0x1E800] =	vst v63  }
0x98: {  	_ =	swait.ge [sflag:s22], $0x1400  }
0x99: {  	[sflag:s22] =	ssyncset.done $0x0  }
0x9a: {  	[sflag:s22] =	ssyncadd.s32 $0xFFFFEC00  }
0x9b: {  	[tilespmem:s21], [sflag:$0x1] =	stream.indirect.gather [hbm4b:s5+s24], $0x80, s14, s24, $0x2000b8;
	[tilespmem:$0x1E800] =	vst v63  }
0x9c: {  	_ = 	snop  }
0x9d: {  	[tilespmem:s25], [sflag:$0x2] =	stream.indirect.gather [hbm4b:s5+s24], $0x80, s24, s24, $0x2000b8;
	[tilespmem:$0x1E800] =	vst v63  }
0x9e: {  	_ = 	snop  }
0x9f: {  	[tilespmem:s28], [sflag:$0x3] =	stream.indirect.gather [hbm4b:s5+s24], $0x80, s26, s24, $0x2000b8;
	[tilespmem:$0x1E800] =	vst v63  }
0xa0: {  	_ = 	snop  }
0xa1: {  	[tilespmem:s30], [sflag:$0x4] =	stream.indirect.gather [hbm4b:s5+s24], $0x80, s29, s24, $0x2000b8;
	[tilespmem:$0x1E800] =	vst v63  }
0xa2: {  	_ =	swait.ge [sflag:s31], $0x2000  }
0xa3: {  	[sflag:s31] =	ssyncset.done $0x0  }
0xa4: {  	[sflag:s31] =	ssyncadd.s32 $0xFFFFE000  }
0xa5: {  	_ =	swait.ge [sflag:s0], $0x2000  }
0xa6: {  	[sflag:s0] =	ssyncset.done $0x0  }
0xa7: {  	s16 =	simm.s32 $0x1400;
	[sflag:s0] =	ssyncadd.s32 $0xFFFFE000  }
0xa8: {  	[spmem:s2] =	stream.indirect.scatter.add.f32 [tilespmem:s21], [sflag:$0x5], $0x80, s16, s26, $0x2000b8;
	[tilespmem:$0x1E800] =	vst v63  }
0xa9: {  	_ =	swait.ge [sflag:s22], $0x4000  }
0xaa: {  	[sflag:s22] =	ssyncset.done $0x0  }
0xab: {  	s15 =	simm.s32 $0x100;
	[sflag:s22] =	ssyncadd.s32 $0xFFFFC000  }
0xac: {  	[tilespmem:s21], [sflag:$0x1] =	stream.indirect.gather [hbm4b:s5+s24], $0x80, s15, s24, $0x2000b8;
	[tilespmem:$0x1E800] =	vst v63  }
0xad: {  	s16 =	simm.s32 $0x140  }
0xae: {  	[tilespmem:s25], [sflag:$0x2] =	stream.indirect.gather [hbm4b:s5+s24], $0x80, s16, s24, $0x2000b8;
	[tilespmem:$0x1E800] =	vst v63  }
0xaf: {  	_ =	swait.ge [sflag:s4], $0x2000  }
0xb0: {  	[sflag:s4] =	ssyncset.done $0x0  }
0xb1: {  	[sflag:s4] =	ssyncadd.s32 $0xFFFFE000  }
0xb2: {  	_ =	swait.ge [sflag:s1], $0x2000  }
0xb3: {  	[sflag:s1] =	ssyncset.done $0x0  }
0xb4: {  	s15 =	simm.s32 $0x1480;
	[sflag:s1] =	ssyncadd.s32 $0xFFFFE000  }
0xb5: {  	[spmem:s2] =	stream.indirect.scatter.add.f32 [tilespmem:s28], [sflag:$0x5], $0x80, s15, s26, $0x2000b8;
	[tilespmem:$0x1E800] =	vst v63  }
0xb6: {  	_ =	swait.ge [sflag:s22], $0x4000  }
0xb7: {  	s14 =	simm.s32 $0x400;
	[sflag:s22] =	ssyncset.done $0x0  }
0xb8: {  	s16 =	simm.s32 $0x180;
	s15 =	simm.s32 $0x1C0;
	[sflag:s22] =	ssyncadd.s32 $0xFFFFC000  }
0xb9: {  	[tilespmem:s28], [sflag:$0x3] =	stream.indirect.gather [hbm4b:s5+s24], $0x80, s16, s24, $0x2000b8;
	[tilespmem:$0x1E800] =	vst v63  }
.LBB2_4:
0xba: {  	[tilespmem:s30], [sflag:$0x4] =	stream.indirect.gather [hbm4b:s5+s24], $0x80, s15, s24, $0x2000b8;
	[tilespmem:$0x1E800] =	vst v63  }
0xbb: {  	s15 =	smov.u32 s14  }
0xbc: {  	p0 =	sne.s32 s14, $0x4800;
	s14 =	sadd.s32 $0x400, s14;
	_ =	swait.ge [sflag:s31], $0x2000  }
0xbd: {  	[sflag:s31] =	ssyncset.done $0x0  }
0xbe: {  	[sflag:s31] =	ssyncadd.s32 $0xFFFFE000  }
0xbf: {  	_ =	swait.ge [sflag:s0], $0x2000  }
0xc0: {  	s15 =	sshra.s32 s15, $0x2;
	[sflag:s0] =	ssyncset.done $0x0  }
0xc1: {  	s16 =	sadd.s32 $0x1400, s15;
	[sflag:s0] =	ssyncadd.s32 $0xFFFFE000  }
0xc2: {  	[spmem:s2] =	stream.indirect.scatter.add.f32 [tilespmem:s21], [sflag:$0x5], $0x80, s16, s26, $0x2000b8;
	[tilespmem:$0x1E800] =	vst v63  }
0xc3: {  	_ =	swait.ge [sflag:s22], $0x4000  }
0xc4: {  	[sflag:s22] =	ssyncset.done $0x0  }
0xc5: {  	s16 =	sadd.s32 $0x100, s15;
	[sflag:s22] =	ssyncadd.s32 $0xFFFFC000  }
0xc6: {  	[tilespmem:s21], [sflag:$0x1] =	stream.indirect.gather [hbm4b:s5+s24], $0x80, s16, s24, $0x2000b8;
	[tilespmem:$0x1E800] =	vst v63  }
0xc7: {  	s16 =	sadd.s32 $0x140, s15  }
0xc8: {  	[tilespmem:s25], [sflag:$0x2] =	stream.indirect.gather [hbm4b:s5+s24], $0x80, s16, s24, $0x2000b8;
	[tilespmem:$0x1E800] =	vst v63  }
0xc9: {  	_ =	swait.ge [sflag:s4], $0x2000  }
0xca: {  	[sflag:s4] =	ssyncset.done $0x0  }
0xcb: {  	[sflag:s4] =	ssyncadd.s32 $0xFFFFE000  }
0xcc: {  	_ =	swait.ge [sflag:s1], $0x2000  }
0xcd: {  	[sflag:s1] =	ssyncset.done $0x0  }
0xce: {  	s16 =	sadd.s32 $0x1480, s15;
	[sflag:s1] =	ssyncadd.s32 $0xFFFFE000  }
0xcf: {  	[spmem:s2] =	stream.indirect.scatter.add.f32 [tilespmem:s28], [sflag:$0x5], $0x80, s16, s26, $0x2000b8;
	[tilespmem:$0x1E800] =	vst v63  }
.Ltmp1:
0xd0: {  	_ =	swait.ge [sflag:s22], $0x4000;
	(pc) =	sbr.rel @p0 .LBB2_4-.Ltmp1, $4  }
0xd1: {  	[sflag:s22] =	ssyncset.done $0x0  }
0xd2: {  	s16 =	sadd.s32 $0x180, s15;
	[sflag:s22] =	ssyncadd.s32 $0xFFFFC000  }
0xd3: {  	[tilespmem:s28], [sflag:$0x3] =	stream.indirect.gather [hbm4b:s5+s24], $0x80, s16, s24, $0x2000b8;
	[tilespmem:$0x1E800] =	vst v63  }
0xd4: {  	s15 =	sadd.s32 $0x1C0, s15  }
0xd5: {  	[tilespmem:s30], [sflag:$0x4] =	stream.indirect.gather [hbm4b:s5+s24], $0x80, s15, s24, $0x2000b8;
	[tilespmem:$0x1E800] =	vst v63  }
0xd6: {  	_ =	swait.ge [sflag:s31], $0x2000  }
0xd7: {  	[sflag:s31] =	ssyncset.done $0x0  }
0xd8: {  	[sflag:s31] =	ssyncadd.s32 $0xFFFFE000  }
0xd9: {  	_ =	swait.ge [sflag:s0], $0x2000  }
0xda: {  	[sflag:s0] =	ssyncset.done $0x0  }
0xdb: {  	[sflag:s0] =	ssyncadd.s32 $0xFFFFE000  }
0xdc: {  	[spmem:s2] =	stream.indirect.scatter.add.f32 [tilespmem:s21], [sflag:$0x5], $0x80, s11, s26, $0x2000b8;
	[tilespmem:$0x1E800] =	vst v63  }
0xdd: {  	_ =	swait.ge [sflag:s22], $0x4000  }
0xde: {  	[sflag:s22] =	ssyncset.done $0x0  }
0xdf: {  	[sflag:s22] =	ssyncadd.s32 $0xFFFFC000  }
0xe0: {  	_ =	swait.ge [sflag:s4], $0x2000  }
0xe1: {  	[sflag:s4] =	ssyncset.done $0x0  }
0xe2: {  	[sflag:s4] =	ssyncadd.s32 $0xFFFFE000  }
0xe3: {  	_ =	swait.ge [sflag:s1], $0x2000  }
0xe4: {  	[sflag:s1] =	ssyncset.done $0x0  }
0xe5: {  	[sflag:s1] =	ssyncadd.s32 $0xFFFFE000  }
0xe6: {  	[spmem:s2] =	stream.indirect.scatter.add.f32 [tilespmem:s28], [sflag:$0x5], $0x80, s12, s26, $0x2000b8;
	[tilespmem:$0x1E800] =	vst v63  }
0xe7: {  	_ =	swait.ge [sflag:s22], $0x4000  }
0xe8: {  	[sflag:s22] =	ssyncset.done $0x0  }
0xe9: {  	[sflag:s22] =	ssyncadd.s32 $0xFFFFC000  }
0xea: {  	_ =	strace $0x9000004A  }
0xeb: {  	[bflag:$0x0] =	sbarrier.arrive $0xFFFF  }
0xec: {  	_ =	strace $0x8000004B  }
0xed: {  	[tilespmem:s21], [sflag:$0x5] =	stream.linear.gather [spmem:s6], $0x4000, $0x200038;
	[tilespmem:$0x1E800] =	vst v63  }
0xee: {  	_ =	swait.ge [sflag:s22], $0x4000  }
0xef: {  	[sflag:s22] =	ssyncset.done $0x0  }
0xf0: {  	s14 =	rddreg [dreg:$0x8];
	[sflag:s22] =	ssyncadd.s32 $0xFFFFC000  }
0xf1: {  	[hbm4b:s14+s3] =	stream.linear.scatter [tilespmem:s21], [sflag:$0x1], $0x4000, $0x200038;
	[tilespmem:$0x1E800] =	vst v63  }
0xf2: {  	_ = 	snop  }
0xf3: {  	[tilespmem:s28], [sflag:$0x5] =	stream.linear.gather [spmem:s7], $0x4000, $0x200038;
	[tilespmem:$0x1E800] =	vst v63  }
0xf4: {  	_ =	swait.ge [sflag:s22], $0x4000  }
0xf5: {  	[sflag:s22] =	ssyncset.done $0x0  }
0xf6: {  	s16 =	rddreg [dreg:$0x9];
	[sflag:s22] =	ssyncadd.s32 $0xFFFFC000  }
0xf7: {  	[hbm4b:s16+s3] =	stream.linear.scatter [tilespmem:s28], [sflag:$0x2], $0x4000, $0x200038;
	[tilespmem:$0x1E800] =	vst v63  }
0xf8: {  	_ =	swait.ge [sflag:s31], $0x4000  }
0xf9: {  	[sflag:s31] =	ssyncset.done $0x0  }
0xfa: {  	[sflag:s31] =	ssyncadd.s32 $0xFFFFC000  }
0xfb: {  	[tilespmem:s21], [sflag:$0x5] =	stream.linear.gather [spmem:s8], $0x4000, $0x200038;
	[tilespmem:$0x1E800] =	vst v63  }
0xfc: {  	_ =	swait.ge [sflag:s22], $0x4000  }
0xfd: {  	[sflag:s22] =	ssyncset.done $0x0  }
0xfe: {  	[sflag:s22] =	ssyncadd.s32 $0xFFFFC000  }
0xff: {  	[hbm4b:s17+s3] =	stream.linear.scatter [tilespmem:s21], [sflag:$0x1], $0x4000, $0x200038;
	[tilespmem:$0x1E800] =	vst v63  }
0x100: {  	_ =	swait.ge [sflag:s0], $0x4000  }
0x101: {  	[sflag:s0] =	ssyncset.done $0x0  }
0x102: {  	[sflag:s0] =	ssyncadd.s32 $0xFFFFC000  }
0x103: {  	[tilespmem:s28], [sflag:$0x5] =	stream.linear.gather [spmem:s9], $0x4000, $0x200038;
	[tilespmem:$0x1E800] =	vst v63  }
0x104: {  	_ =	swait.ge [sflag:s22], $0x4000  }
0x105: {  	[sflag:s22] =	ssyncset.done $0x0  }
0x106: {  	[sflag:s22] =	ssyncadd.s32 $0xFFFFC000  }
0x107: {  	[hbm4b:s18+s3] =	stream.linear.scatter [tilespmem:s28], [sflag:$0x2], $0x4000, $0x200038;
	[tilespmem:$0x1E800] =	vst v63  }
0x108: {  	_ =	swait.ge [sflag:s31], $0x4000  }
0x109: {  	[sflag:s31] =	ssyncset.done $0x0  }
0x10a: {  	[sflag:s31] =	ssyncadd.s32 $0xFFFFC000  }
0x10b: {  	[tilespmem:s21], [sflag:$0x5] =	stream.linear.gather [spmem:s10], $0x4000, $0x200038;
	[tilespmem:$0x1E800] =	vst v63  }
0x10c: {  	_ =	swait.ge [sflag:s22], $0x4000  }
0x10d: {  	[sflag:s22] =	ssyncset.done $0x0  }
0x10e: {  	[sflag:s22] =	ssyncadd.s32 $0xFFFFC000  }
0x10f: {  	[hbm4b:s19+s3] =	stream.linear.scatter [tilespmem:s21], [sflag:$0x1], $0x4000, $0x200038;
	[tilespmem:$0x1E800] =	vst v63  }
0x110: {  	s13 =	sadd.s32 $0x1, s13;
	_ =	swait.ge [sflag:s0], $0x4000  }
0x111: {  	p0 =	sne.s32 s13, s20;
	[sflag:s0] =	ssyncset.done $0x0  }
.Ltmp2:
0x112: {  	[sflag:s0] =	ssyncadd.s32 $0xFFFFC000;
	(pc) =	sbr.rel @p0 .LBB2_1-.Ltmp2, $4  }
0x113: {  	_ =	swait.ge [sflag:s31], $0x4000  }
0x114: {  	[sflag:s31] =	ssyncset.done $0x0  }
0x115: {  	[sflag:s31] =	ssyncadd.s32 $0xFFFFC000  }
0x116: {  	_ =	strace $0x9000004B  }
0x117: {  	_ =	sfence.sel $0x180000  }
0x118: {  	[bflag:$0x0] =	sbarrier.arrive $0xFFFF  }
0x119: {  	_ =	strace $0x90000047  }
0x11a: {  	s0 =	stileid.u32;
	[bflag:$0x2] =	sbarrier.arrive $0xFFFF  }
0x11b: {  	p0 =	sne.s32 s0, $0x0;
	s0 =	rddreg [dreg:$0x3]  }
0x11c: {  	s0 =	sadd.s32 @!p0 $0x100000, s0  }
0x11d: {  	[sflag:s0] =	ssyncadd.tile.s32 @!p0 $0x1;
	_ =	shalt  }
.Lfunc_end2:
_tile_overlayer_lowered:
.L_overlay_start_2:
0x11e: {  	(tag) =	ssettag $0x2  }
0x11f: {  	s0 =	rddreg [dreg:$0x0];
	s2 =	stileid.u32  }
0x120: {  	s1 =	rddreg [dreg:$0x1];
	p0 =	sne.s32 s2, $0x0  }
0x121: {  	s3 =	rddreg [dreg:$0x2];
	[bflag:$0x3] =	sbarrier.arrive $0xFFFF;
	s2 =	simm.s32 @!p0 $0x1C05  }
0x122: {  	[timem:s3], [sflag:s2] =	dma.local @!p0 [hbm:s0], s1  }
0x123: {  	s0 =	simm.s32 @!p0 $0x5  }
0x124: {  	_ =	swait.ge @!p0 [sflag:s0], s1  }
0x125: {  	s1 =	ssub.s32 @!p0 $0x0, s1;
	[sflag:s0] =	ssyncset.done @!p0 $0x0  }
0x126: {  	[sflag:s0] =	ssyncadd.s32 @!p0 s1  }
0x127: {  	[bflag:$0x3] =	sbarrier.arrive $0xFFFF  }
0x128: {  	_ =	shalt  }

</sc_bundles>
